<compile_context>
chip_gen: v7x
topology: tpu7x:2x2x1
jax: 0.10.2.dev20260603
libtpu: 0.0.44.dev20260713+nightly
codegen_flags: <defaults>
</compile_context>

<pallas_src>
import functools

import jax
import jax.numpy as jnp
from jax import lax
from jax.experimental import pallas as pl
from jax.experimental.pallas import tpu as pltpu
from jax.experimental.pallas import tpu_sc as plsc

K = 1024
ED = 256
B = 1024
T = 6
BI = 256
NB = B // BI

_COMMIT = 0.25
_DIVERGE = 0.1
_BIGF = 3.0e38
_BIGI = 2 ** 30


def _exact_tree(sq):
    L = sq.shape[1]
    rs = sq.reshape(2, 16, 8, L)
    acc = rs[:, 0]
    for j in range(1, 16):
        acc = acc + rs[:, j]
    v = ((acc[:, 0] + acc[:, 4]) + (acc[:, 2] + acc[:, 6])) + (
        (acc[:, 1] + acc[:, 5]) + (acc[:, 3] + acc[:, 7]))
    return v[0:1] + v[1:2]


def _coarse_body(y_ref, x_ref, w_ref, candy_ref, wn_ref):
    ib = pl.program_id(0)

    @pl.when(ib == 0)
    def _wn_once():
        w0 = w_ref[...]
        wn_ref[...] = jnp.sum(w0 * w0, axis=1, keepdims=True)

    xt = x_ref[...].T
    w = w_ref[...]
    g = lax.dot_general(w, xt, (((1,), (0,)), ((), ())),
                        precision=lax.Precision.HIGHEST,
                        preferred_element_type=jnp.float32)
    d = wn_ref[...] - (g + g)
    nc = K // 128
    dc = d.reshape(nc, 128, BI)
    kkc = lax.broadcasted_iota(jnp.int32, (nc, 128, BI), 1)
    cbase = lax.broadcasted_iota(jnp.int32, (nc, 1, BI), 0) * 128
    vals, gidx = [], []
    for t in range(3):
        m8 = jnp.min(dc, axis=1, keepdims=True)
        i8 = jnp.min(jnp.where(dc == m8, kkc, _BIGI), axis=1,
                     keepdims=True)
        vals.append(m8.reshape(nc, BI))
        gidx.append((i8 + cbase).reshape(nc, BI))
        if t < 2:
            dc = jnp.where(kkc == i8, _BIGF, dc)
    va = jnp.concatenate(vals, axis=0)
    ga = jnp.concatenate(gidx, axis=0)
    for t in range(T):
        m = jnp.min(va, axis=0, keepdims=True)
        it = jnp.min(jnp.where(va == m, ga, _BIGI), axis=0,
                     keepdims=True)
        candy_ref[t:t + 1, :] = it
        if t < T - 1:
            va = jnp.where(ga == it, _BIGF, va)
    candy_ref[T:T + 1, :] = y_ref[0]


def _refine_body(y_ref, yc_ref, x_ref, wc_ref, candy_ref,
                 close_ref, qst_ref, loss_ref, perp_ref,
                 hist_ref, acc_ref):
    ib = pl.program_id(0)

    @pl.when(ib == 0)
    def _init():
        hist_ref[...] = jnp.zeros((1, K), jnp.float32)
        acc_ref[0] = 0.0
        acc_ref[1] = 0.0

    xv = x_ref[...]
    xt = xv.T
    dsq_rows = []
    for t in range(T):
        wct = wc_ref[t].T
        diff = xt - wct
        dsq_rows.append(_exact_tree(diff * diff))
    dsq = jnp.concatenate(dsq_rows, axis=0)
    sd = dsq * lax.rsqrt(dsq)
    cidx = candy_ref[0:T, :]
    m = jnp.min(sd, axis=0, keepdims=True)
    idx = jnp.min(jnp.where(sd == m, cidx, _BIGI), axis=0,
                  keepdims=True)
    dmin = jnp.min(dsq, axis=0, keepdims=True)
    yi = y_ref[0]
    ind = (idx != yi).astype(jnp.float32)
    close_ref[0] = idx
    q = wc_ref[T] - xv
    qst_ref[...] = xv + q
    acc_ref[0] = acc_ref[0] + jnp.sum(q * q)
    acc_ref[1] = acc_ref[1] + jnp.sum(ind * dmin)
    kk2 = lax.broadcasted_iota(jnp.int32, (1, K), 1)
    eq = (yc_ref[...] == kk2).astype(jnp.float32)
    hist_ref[...] = hist_ref[...] + jnp.sum(eq, axis=0, keepdims=True)

    @pl.when(ib == NB - 1)
    def _fin():
        scale = 1.0 / (B * ED)
        loss_ref[0:1, 0:1] = ((1.0 + _COMMIT) * acc_ref[0] * scale
                              - (1.0 + _DIVERGE) * acc_ref[1] * scale
                              ).reshape(1, 1)
        probs = hist_ref[...] * (1.0 / B)
        ent = jnp.sum(probs * jnp.log(probs + 1e-10))
        perp_ref[0:1, 0:1] = jnp.exp(-ent).reshape(1, 1)


_SC_NC = 2
_SC_NS = 16
_NW = _SC_NC * _SC_NS


_NCH = 4


@functools.cache
def _gather_rows_kernel(nrows):
    bpw = nrows // _NW
    cpw = bpw // _NCH
    mesh = plsc.VectorSubcoreMesh(core_axis_name="c", subcore_axis_name="s")

    @functools.partial(
        pl.kernel, mesh=mesh,
        out_type=jax.ShapeDtypeStruct((nrows, ED), jnp.float32),
        scratch_types=[
            pltpu.VMEM((bpw,), jnp.int32),
            pltpu.VMEM((_NCH, cpw, ED), jnp.float32),
        ] + [pltpu.SemaphoreType.DMA] * _NCH,
    )
    def _gather_rows(table_hbm, idx_hbm, out_hbm, idx_v, rows_v, *sems):
        wid = lax.axis_index("s") * _SC_NC + lax.axis_index("c")
        base = wid * bpw
        pltpu.sync_copy(idx_hbm.at[pl.ds(base, bpw)], idx_v)
        cps = [pltpu.async_copy(table_hbm.at[idx_v.at[pl.ds(c * cpw, cpw)]],
                                rows_v.at[c], sems[c])
               for c in range(_NCH)]
        for c in range(_NCH):
            cps[c].wait()
            pltpu.sync_copy(rows_v.at[c], out_hbm.at[pl.ds(base + c * cpw, cpw)])

    return _gather_rows


def kernel(x, y, W):
    y32 = y.astype(jnp.int32)
    y3 = y32.reshape(NB, 1, BI)

    candy = pl.pallas_call(
        _coarse_body,
        grid=(NB,),
        in_specs=[
            pl.BlockSpec((1, 1, BI), lambda ib: (ib, 0, 0)),
            pl.BlockSpec((BI, ED), lambda ib: (ib, 0)),
            pl.BlockSpec((K, ED), lambda ib: (0, 0)),
        ],
        out_specs=pl.BlockSpec((T + 1, BI), lambda ib: (0, ib)),
        out_shape=jax.ShapeDtypeStruct((T + 1, B), jnp.int32),
        scratch_shapes=[pltpu.VMEM((K, 1), jnp.float32)],
    )(y3, x, W)

    wc = _gather_rows_kernel((T + 1) * B)(W, candy.reshape((T + 1) * B))
    wc = wc.reshape(T + 1, B, ED)

    close3, qst, loss, perp = pl.pallas_call(
        _refine_body,
        grid=(NB,),
        in_specs=[
            pl.BlockSpec((1, 1, BI), lambda ib: (ib, 0, 0)),
            pl.BlockSpec((BI, 1), lambda ib: (ib, 0)),
            pl.BlockSpec((BI, ED), lambda ib: (ib, 0)),
            pl.BlockSpec((T + 1, BI, ED), lambda ib: (0, ib, 0)),
            pl.BlockSpec((T + 1, BI), lambda ib: (0, ib)),
        ],
        out_specs=[
            pl.BlockSpec((1, 1, BI), lambda ib: (ib, 0, 0)),
            pl.BlockSpec((BI, ED), lambda ib: (ib, 0)),
            pl.BlockSpec((1, 1), lambda ib: (0, 0)),
            pl.BlockSpec((1, 1), lambda ib: (0, 0)),
        ],
        out_shape=[
            jax.ShapeDtypeStruct((NB, 1, BI), jnp.int32),
            jax.ShapeDtypeStruct((B, ED), jnp.float32),
            jax.ShapeDtypeStruct((1, 1), jnp.float32),
            jax.ShapeDtypeStruct((1, 1), jnp.float32),
        ],
        scratch_shapes=[
            pltpu.VMEM((1, K), jnp.float32),
            pltpu.SMEM((2,), jnp.float32),
        ],
    )(y3, y32.reshape(B, 1), x, wc, candy)

    return (loss.reshape(()), qst, perp.reshape(()), close3.reshape(B, 1))

# --- scband reference (transcript-rebuilt; emitter-appended) ---
"""Pipeline reference for scband-vector-quantizer-class-77695958385279 (READ-ONLY COPY).

The authoritative reference and input builder live on the scoring server;
editing this copy changes nothing except your own understanding.
"""

import jax, jax.numpy as jnp
import numpy as np

NUM_EMBEDDINGS = 1024
EMBED_DIM = 256
COMMITMENT_COST = 0.25
DIVERGENCE_COST = 0.1


def setup_inputs(seed: int = 0) -> dict:
    key = jax.random.key(seed)
    k1, k2, k3 = jax.random.split(key, 3)
    x = jax.random.normal(k1, (1024, EMBED_DIM), dtype=jnp.float32)
    y = jax.random.randint(k2, (1024,), 0, NUM_EMBEDDINGS, dtype=jnp.int64 if jax.config.jax_enable_x64 else jnp.int32)
    W = jax.random.uniform(k3, (NUM_EMBEDDINGS, EMBED_DIM), dtype=jnp.float32,
                           minval=-1.0 / NUM_EMBEDDINGS, maxval=1.0 / NUM_EMBEDDINGS)
    return {"x": x, "y": y, "W": W}


def reference(x, y, W):
    # pairwise L2 distances between latents [B,1,d] and codebook [1,K,d]
    latent_vectors = x[:, None, :]
    codebook_vectors = W[None, :, :]
    distances = jnp.linalg.norm(latent_vectors - codebook_vectors, axis=2)

    encoding_indices = jnp.reshape(y, (y.shape[0], 1))
    encodings = jax.nn.one_hot(y, NUM_EMBEDDINGS, dtype=jnp.float32)

    close_idx = jnp.argmin(distances, axis=1)
    close_indices = close_idx[:, None]
    close_encodings = jax.nn.one_hot(close_idx, NUM_EMBEDDINGS, dtype=jnp.float32)

    indicator = (1 - (encoding_indices == close_indices).astype(jnp.int32)).astype(jnp.float32)

    quantized = jnp.matmul(encodings, W)
    close_quantized = jnp.matmul(close_encodings, W)

    sg = jax.lax.stop_gradient
    q_latent_loss = jnp.mean((quantized - sg(x)) ** 2)
    e_latent_loss = jnp.mean((sg(quantized) - x) ** 2)
    x_latent_loss = jnp.mean(indicator * (close_quantized - sg(x)) ** 2)
    d_latent_loss = jnp.mean(indicator * (sg(close_quantized) - x) ** 2)
    loss = q_latent_loss + COMMITMENT_COST * e_latent_loss - x_latent_loss - DIVERGENCE_COST * d_latent_loss

    quantized_st = x + sg(quantized - x)

    avg_probs = jnp.mean(encodings, axis=0)
    perplexity = jnp.exp(-jnp.sum(avg_probs * jnp.log(avg_probs + 1e-10)))

    return (loss, quantized_st, perplexity, close_indices)

if __name__ == "__main__":
    import jax
    _d = setup_inputs()
    print(jax.jit(kernel)(*tuple(_d.values())))

</pallas_src>

<mosaic_0001>
#map = affine_map<(d0, d1) -> (0, 0)>
#map1 = affine_map<(d0, d1) -> (0)>
module attributes {stable_mosaic.version = 14 : i64} {
  func.func @_gather_rows(%arg0: i32, %arg1: i32, %arg2: memref<1024x256xf32, #tpu.memory_space<hbm>>, %arg3: memref<7168xi32, #tpu.memory_space<hbm>>, %arg4: memref<7168x256xf32, #tpu.memory_space<hbm>>, %arg5: memref<224xi32, #tpu.memory_space<vmem>>, %arg6: memref<4x56x256xf32, #tpu.memory_space<vmem>>, %arg7: memref<!tpu.dma_semaphore, #tpu.memory_space<semaphore_mem>>, %arg8: memref<!tpu.dma_semaphore, #tpu.memory_space<semaphore_mem>>, %arg9: memref<!tpu.dma_semaphore, #tpu.memory_space<semaphore_mem>>, %arg10: memref<!tpu.dma_semaphore, #tpu.memory_space<semaphore_mem>>) attributes {dimension_semantics = [#tpu.dimension_semantics<core_parallel>, #tpu.dimension_semantics<subcore_parallel>], iteration_bounds = array<i64: 2, 16>, scalar_prefetch = 0 : i64, scratch_operands = 6 : i64, tpu.core_type = #tpu.core_type<sc_vector_subcore>, window_params = [{transform_indices = #map}, {transform_indices = #map1}, {transform_indices = #map}]} {
    %mul3A = arith.constant 2 : i32
    %mul3A_0 = arith.muli %arg1, %mul3A : i32
    %add3A = arith.addi %mul3A_0, %arg0 : i32
    %mul3A_1 = arith.constant 224 : i32
    %mul3A_2 = arith.muli %add3A, %mul3A_1 : i32
    "tpu.region"() ({
      %run_scoped3A_92 = tpu.sem_alloc : memref<!tpu.dma_semaphore, #tpu.memory_space<semaphore_mem>>
      %dma_start3A_93 = tpu.memref_slice %arg3[%mul3A_2] : memref<7168xi32, #tpu.memory_space<hbm>> -> memref<224xi32, #tpu.memory_space<hbm>>
      %dma_start3A_94 = tpu.memref_slice %arg3[%mul3A_2] : memref<7168xi32, #tpu.memory_space<hbm>> -> memref<224xi32, #tpu.memory_space<hbm>>
      tpu.enqueue_dma source(%dma_start3A_94 : memref<224xi32, #tpu.memory_space<hbm>>) target(%arg5 : memref<224xi32, #tpu.memory_space<vmem>>) target_semaphore(%run_scoped3A_92 : memref<!tpu.dma_semaphore, #tpu.memory_space<semaphore_mem>>)
      %dma_wait3A_95 = tpu.memref_slice %arg3[%mul3A_2] : memref<7168xi32, #tpu.memory_space<hbm>> -> memref<224xi32, #tpu.memory_space<hbm>>
      %dma_wait3A_96 = tpu.memref_slice %arg3[%mul3A_2] : memref<7168xi32, #tpu.memory_space<hbm>> -> memref<224xi32, #tpu.memory_space<hbm>>
      tpu.wait_dma2 semaphore(%run_scoped3A_92 : memref<!tpu.dma_semaphore, #tpu.memory_space<semaphore_mem>>) src(%dma_wait3A_96 : memref<224xi32, #tpu.memory_space<hbm>>) dst(%arg5 : memref<224xi32, #tpu.memory_space<vmem>>)
      tpu.yield
    }) : () -> ()
    %dma_start3A = arith.constant 0 : i32
    %dma_start3A_3 = arith.constant 0 : i32
    %dma_start3A_4 = arith.constant 0 : i32
    %dma_start3A_5 = tpu.memref_slice %arg6[%dma_start3A, %dma_start3A_3, %dma_start3A_4] : memref<4x56x256xf32, #tpu.memory_space<vmem>> -> memref<1x56x256xf32, #tpu.memory_space<vmem>>
    %dma_start3A_6 = tpu.memref_squeeze %dma_start3A_5 : memref<1x56x256xf32, #tpu.memory_space<vmem>> -> memref<56x256xf32, #tpu.memory_space<vmem>>
    %dma_start3A_7 = arith.constant 0 : i32
    %dma_start3A_8 = tpu.memref_slice %arg5[%dma_start3A_7] : memref<224xi32, #tpu.memory_space<vmem>> -> memref<56xi32, #tpu.memory_space<vmem>>
    %dma_start3A_9 = arith.constant 0 : i32
    %dma_start3A_10 = arith.constant 0 : i32
    %dma_start3A_11 = tpu.memref_slice %arg2[%dma_start3A_9, %dma_start3A_10] : memref<1024x256xf32, #tpu.memory_space<hbm>> -> memref<1024x256xf32, #tpu.memory_space<hbm>>
    tpu.enqueue_indirect_dma source(%dma_start3A_11 : memref<1024x256xf32, #tpu.memory_space<hbm>>) target(%dma_start3A_6 : memref<56x256xf32, #tpu.memory_space<vmem>>) offsets(%dma_start3A_8 : memref<56xi32, #tpu.memory_space<vmem>>) semaphore(%arg7 : memref<!tpu.dma_semaphore, #tpu.memory_space<semaphore_mem>>)
    %dma_start3A_12 = arith.constant 1 : i32
    %dma_start3A_13 = arith.constant 0 : i32
    %dma_start3A_14 = arith.constant 0 : i32
    %dma_start3A_15 = tpu.memref_slice %arg6[%dma_start3A_12, %dma_start3A_13, %dma_start3A_14] : memref<4x56x256xf32, #tpu.memory_space<vmem>> -> memref<1x56x256xf32, #tpu.memory_space<vmem>>
    %dma_start3A_16 = tpu.memref_squeeze %dma_start3A_15 : memref<1x56x256xf32, #tpu.memory_space<vmem>> -> memref<56x256xf32, #tpu.memory_space<vmem>>
    %dma_start3A_17 = arith.constant 56 : i32
    %dma_start3A_18 = tpu.memref_slice %arg5[%dma_start3A_17] : memref<224xi32, #tpu.memory_space<vmem>> -> memref<56xi32, #tpu.memory_space<vmem>>
    %dma_start3A_19 = arith.constant 0 : i32
    %dma_start3A_20 = arith.constant 0 : i32
    %dma_start3A_21 = tpu.memref_slice %arg2[%dma_start3A_19, %dma_start3A_20] : memref<1024x256xf32, #tpu.memory_space<hbm>> -> memref<1024x256xf32, #tpu.memory_space<hbm>>
    tpu.enqueue_indirect_dma source(%dma_start3A_21 : memref<1024x256xf32, #tpu.memory_space<hbm>>) target(%dma_start3A_16 : memref<56x256xf32, #tpu.memory_space<vmem>>) offsets(%dma_start3A_18 : memref<56xi32, #tpu.memory_space<vmem>>) semaphore(%arg8 : memref<!tpu.dma_semaphore, #tpu.memory_space<semaphore_mem>>)
    %dma_start3A_22 = arith.constant 2 : i32
    %dma_start3A_23 = arith.constant 0 : i32
    %dma_start3A_24 = arith.constant 0 : i32
    %dma_start3A_25 = tpu.memref_slice %arg6[%dma_start3A_22, %dma_start3A_23, %dma_start3A_24] : memref<4x56x256xf32, #tpu.memory_space<vmem>> -> memref<1x56x256xf32, #tpu.memory_space<vmem>>
    %dma_start3A_26 = tpu.memref_squeeze %dma_start3A_25 : memref<1x56x256xf32, #tpu.memory_space<vmem>> -> memref<56x256xf32, #tpu.memory_space<vmem>>
    %dma_start3A_27 = arith.constant 112 : i32
    %dma_start3A_28 = tpu.memref_slice %arg5[%dma_start3A_27] : memref<224xi32, #tpu.memory_space<vmem>> -> memref<56xi32, #tpu.memory_space<vmem>>
    %dma_start3A_29 = arith.constant 0 : i32
    %dma_start3A_30 = arith.constant 0 : i32
    %dma_start3A_31 = tpu.memref_slice %arg2[%dma_start3A_29, %dma_start3A_30] : memref<1024x256xf32, #tpu.memory_space<hbm>> -> memref<1024x256xf32, #tpu.memory_space<hbm>>
    tpu.enqueue_indirect_dma source(%dma_start3A_31 : memref<1024x256xf32, #tpu.memory_space<hbm>>) target(%dma_start3A_26 : memref<56x256xf32, #tpu.memory_space<vmem>>) offsets(%dma_start3A_28 : memref<56xi32, #tpu.memory_space<vmem>>) semaphore(%arg9 : memref<!tpu.dma_semaphore, #tpu.memory_space<semaphore_mem>>)
    %dma_start3A_32 = arith.constant 3 : i32
    %dma_start3A_33 = arith.constant 0 : i32
    %dma_start3A_34 = arith.constant 0 : i32
    %dma_start3A_35 = tpu.memref_slice %arg6[%dma_start3A_32, %dma_start3A_33, %dma_start3A_34] : memref<4x56x256xf32, #tpu.memory_space<vmem>> -> memref<1x56x256xf32, #tpu.memory_space<vmem>>
    %dma_start3A_36 = tpu.memref_squeeze %dma_start3A_35 : memref<1x56x256xf32, #tpu.memory_space<vmem>> -> memref<56x256xf32, #tpu.memory_space<vmem>>
    %dma_start3A_37 = arith.constant 168 : i32
    %dma_start3A_38 = tpu.memref_slice %arg5[%dma_start3A_37] : memref<224xi32, #tpu.memory_space<vmem>> -> memref<56xi32, #tpu.memory_space<vmem>>
    %dma_start3A_39 = arith.constant 0 : i32
    %dma_start3A_40 = arith.constant 0 : i32
    %dma_start3A_41 = tpu.memref_slice %arg2[%dma_start3A_39, %dma_start3A_40] : memref<1024x256xf32, #tpu.memory_space<hbm>> -> memref<1024x256xf32, #tpu.memory_space<hbm>>
    tpu.enqueue_indirect_dma source(%dma_start3A_41 : memref<1024x256xf32, #tpu.memory_space<hbm>>) target(%dma_start3A_36 : memref<56x256xf32, #tpu.memory_space<vmem>>) offsets(%dma_start3A_38 : memref<56xi32, #tpu.memory_space<vmem>>) semaphore(%arg10 : memref<!tpu.dma_semaphore, #tpu.memory_space<semaphore_mem>>)
    %dma_wait3A = arith.constant 0 : i32
    %dma_wait3A_42 = arith.constant 0 : i32
    %dma_wait3A_43 = arith.constant 0 : i32
    %dma_wait3A_44 = tpu.memref_slice %arg6[%dma_wait3A, %dma_wait3A_42, %dma_wait3A_43] : memref<4x56x256xf32, #tpu.memory_space<vmem>> -> memref<1x56x256xf32, #tpu.memory_space<vmem>>
    %dma_wait3A_45 = tpu.memref_squeeze %dma_wait3A_44 : memref<1x56x256xf32, #tpu.memory_space<vmem>> -> memref<56x256xf32, #tpu.memory_space<vmem>>
    %dma_wait3A_46 = arith.constant 0 : i32
    %dma_wait3A_47 = tpu.memref_slice %arg5[%dma_wait3A_46] : memref<224xi32, #tpu.memory_space<vmem>> -> memref<56xi32, #tpu.memory_space<vmem>>
    %dma_wait3A_48 = arith.constant 0 : i32
    %dma_wait3A_49 = arith.constant 0 : i32
    %dma_wait3A_50 = tpu.memref_slice %arg2[%dma_wait3A_48, %dma_wait3A_49] : memref<1024x256xf32, #tpu.memory_space<hbm>> -> memref<1024x256xf32, #tpu.memory_space<hbm>>
    tpu.wait_indirect_dma semaphore(%arg7 : memref<!tpu.dma_semaphore, #tpu.memory_space<semaphore_mem>>) src(%dma_wait3A_50 : memref<1024x256xf32, #tpu.memory_space<hbm>>) dst(%dma_wait3A_45 : memref<56x256xf32, #tpu.memory_space<vmem>>)
    %add3A_51 = arith.constant 0 : i32
    %add3A_52 = arith.addi %mul3A_2, %add3A_51 : i32
    %run_scoped3A = arith.constant 0 : i32
    "tpu.region"() ({
      %run_scoped3A_92 = tpu.sem_alloc : memref<!tpu.dma_semaphore, #tpu.memory_space<semaphore_mem>>
      %dma_start3A_93 = arith.constant 0 : i32
      %dma_start3A_94 = arith.constant 0 : i32
      %dma_start3A_95 = tpu.memref_slice %arg6[%run_scoped3A, %dma_start3A_93, %dma_start3A_94] : memref<4x56x256xf32, #tpu.memory_space<vmem>> -> memref<1x56x256xf32, #tpu.memory_space<vmem>>
      %dma_start3A_96 = tpu.memref_squeeze %dma_start3A_95 : memref<1x56x256xf32, #tpu.memory_space<vmem>> -> memref<56x256xf32, #tpu.memory_space<vmem>>
      %dma_start3A_97 = arith.constant 0 : i32
      %dma_start3A_98 = tpu.memref_slice %arg4[%add3A_52, %dma_start3A_97] : memref<7168x256xf32, #tpu.memory_space<hbm>> -> memref<56x256xf32, #tpu.memory_space<hbm>>
      %dma_start3A_99 = arith.constant 0 : i32
      %dma_start3A_100 = tpu.memref_slice %arg4[%add3A_52, %dma_start3A_99] : memref<7168x256xf32, #tpu.memory_space<hbm>> -> memref<56x256xf32, #tpu.memory_space<hbm>>
      %dma_start3A_101 = arith.constant 0 : i32
      %dma_start3A_102 = arith.constant 0 : i32
      %dma_start3A_103 = tpu.memref_slice %arg6[%run_scoped3A, %dma_start3A_101, %dma_start3A_102] : memref<4x56x256xf32, #tpu.memory_space<vmem>> -> memref<1x56x256xf32, #tpu.memory_space<vmem>>
      %dma_start3A_104 = tpu.memref_squeeze %dma_start3A_103 : memref<1x56x256xf32, #tpu.memory_space<vmem>> -> memref<56x256xf32, #tpu.memory_space<vmem>>
      tpu.enqueue_dma source(%dma_start3A_104 : memref<56x256xf32, #tpu.memory_space<vmem>>) target(%dma_start3A_100 : memref<56x256xf32, #tpu.memory_space<hbm>>) target_semaphore(%run_scoped3A_92 : memref<!tpu.dma_semaphore, #tpu.memory_space<semaphore_mem>>)
      %dma_wait3A_105 = arith.constant 0 : i32
      %dma_wait3A_106 = arith.constant 0 : i32
      %dma_wait3A_107 = tpu.memref_slice %arg6[%run_scoped3A, %dma_wait3A_105, %dma_wait3A_106] : memref<4x56x256xf32, #tpu.memory_space<vmem>> -> memref<1x56x256xf32, #tpu.memory_space<vmem>>
      %dma_wait3A_108 = tpu.memref_squeeze %dma_wait3A_107 : memref<1x56x256xf32, #tpu.memory_space<vmem>> -> memref<56x256xf32, #tpu.memory_space<vmem>>
      %dma_wait3A_109 = arith.constant 0 : i32
      %dma_wait3A_110 = tpu.memref_slice %arg4[%add3A_52, %dma_wait3A_109] : memref<7168x256xf32, #tpu.memory_space<hbm>> -> memref<56x256xf32, #tpu.memory_space<hbm>>
      %dma_wait3A_111 = arith.constant 0 : i32
      %dma_wait3A_112 = tpu.memref_slice %arg4[%add3A_52, %dma_wait3A_111] : memref<7168x256xf32, #tpu.memory_space<hbm>> -> memref<56x256xf32, #tpu.memory_space<hbm>>
      %dma_wait3A_113 = arith.constant 0 : i32
      %dma_wait3A_114 = arith.constant 0 : i32
      %dma_wait3A_115 = tpu.memref_slice %arg6[%run_scoped3A, %dma_wait3A_113, %dma_wait3A_114] : memref<4x56x256xf32, #tpu.memory_space<vmem>> -> memref<1x56x256xf32, #tpu.memory_space<vmem>>
      %dma_wait3A_116 = tpu.memref_squeeze %dma_wait3A_115 : memref<1x56x256xf32, #tpu.memory_space<vmem>> -> memref<56x256xf32, #tpu.memory_space<vmem>>
      tpu.wait_dma2 semaphore(%run_scoped3A_92 : memref<!tpu.dma_semaphore, #tpu.memory_space<semaphore_mem>>) src(%dma_wait3A_116 : memref<56x256xf32, #tpu.memory_space<vmem>>) dst(%dma_wait3A_112 : memref<56x256xf32, #tpu.memory_space<hbm>>)
      tpu.yield
    }) : () -> ()
    %dma_wait3A_53 = arith.constant 1 : i32
    %dma_wait3A_54 = arith.constant 0 : i32
    %dma_wait3A_55 = arith.constant 0 : i32
    %dma_wait3A_56 = tpu.memref_slice %arg6[%dma_wait3A_53, %dma_wait3A_54, %dma_wait3A_55] : memref<4x56x256xf32, #tpu.memory_space<vmem>> -> memref<1x56x256xf32, #tpu.memory_space<vmem>>
    %dma_wait3A_57 = tpu.memref_squeeze %dma_wait3A_56 : memref<1x56x256xf32, #tpu.memory_space<vmem>> -> memref<56x256xf32, #tpu.memory_space<vmem>>
    %dma_wait3A_58 = arith.constant 56 : i32
    %dma_wait3A_59 = tpu.memref_slice %arg5[%dma_wait3A_58] : memref<224xi32, #tpu.memory_space<vmem>> -> memref<56xi32, #tpu.memory_space<vmem>>
    %dma_wait3A_60 = arith.constant 0 : i32
    %dma_wait3A_61 = arith.constant 0 : i32
    %dma_wait3A_62 = tpu.memref_slice %arg2[%dma_wait3A_60, %dma_wait3A_61] : memref<1024x256xf32, #tpu.memory_space<hbm>> -> memref<1024x256xf32, #tpu.memory_space<hbm>>
    tpu.wait_indirect_dma semaphore(%arg8 : memref<!tpu.dma_semaphore, #tpu.memory_space<semaphore_mem>>) src(%dma_wait3A_62 : memref<1024x256xf32, #tpu.memory_space<hbm>>) dst(%dma_wait3A_57 : memref<56x256xf32, #tpu.memory_space<vmem>>)
    %add3A_63 = arith.constant 56 : i32
    %add3A_64 = arith.addi %mul3A_2, %add3A_63 : i32
    %run_scoped3A_65 = arith.constant 1 : i32
    "tpu.region"() ({
      %run_scoped3A_92 = tpu.sem_alloc : memref<!tpu.dma_semaphore, #tpu.memory_space<semaphore_mem>>
      %dma_start3A_93 = arith.constant 0 : i32
      %dma_start3A_94 = arith.constant 0 : i32
      %dma_start3A_95 = tpu.memref_slice %arg6[%run_scoped3A_65, %dma_start3A_93, %dma_start3A_94] : memref<4x56x256xf32, #tpu.memory_space<vmem>> -> memref<1x56x256xf32, #tpu.memory_space<vmem>>
      %dma_start3A_96 = tpu.memref_squeeze %dma_start3A_95 : memref<1x56x256xf32, #tpu.memory_space<vmem>> -> memref<56x256xf32, #tpu.memory_space<vmem>>
      %dma_start3A_97 = arith.constant 0 : i32
      %dma_start3A_98 = tpu.memref_slice %arg4[%add3A_64, %dma_start3A_97] : memref<7168x256xf32, #tpu.memory_space<hbm>> -> memref<56x256xf32, #tpu.memory_space<hbm>>
      %dma_start3A_99 = arith.constant 0 : i32
      %dma_start3A_100 = tpu.memref_slice %arg4[%add3A_64, %dma_start3A_99] : memref<7168x256xf32, #tpu.memory_space<hbm>> -> memref<56x256xf32, #tpu.memory_space<hbm>>
      %dma_start3A_101 = arith.constant 0 : i32
      %dma_start3A_102 = arith.constant 0 : i32
      %dma_start3A_103 = tpu.memref_slice %arg6[%run_scoped3A_65, %dma_start3A_101, %dma_start3A_102] : memref<4x56x256xf32, #tpu.memory_space<vmem>> -> memref<1x56x256xf32, #tpu.memory_space<vmem>>
      %dma_start3A_104 = tpu.memref_squeeze %dma_start3A_103 : memref<1x56x256xf32, #tpu.memory_space<vmem>> -> memref<56x256xf32, #tpu.memory_space<vmem>>
      tpu.enqueue_dma source(%dma_start3A_104 : memref<56x256xf32, #tpu.memory_space<vmem>>) target(%dma_start3A_100 : memref<56x256xf32, #tpu.memory_space<hbm>>) target_semaphore(%run_scoped3A_92 : memref<!tpu.dma_semaphore, #tpu.memory_space<semaphore_mem>>)
      %dma_wait3A_105 = arith.constant 0 : i32
      %dma_wait3A_106 = arith.constant 0 : i32
      %dma_wait3A_107 = tpu.memref_slice %arg6[%run_scoped3A_65, %dma_wait3A_105, %dma_wait3A_106] : memref<4x56x256xf32, #tpu.memory_space<vmem>> -> memref<1x56x256xf32, #tpu.memory_space<vmem>>
      %dma_wait3A_108 = tpu.memref_squeeze %dma_wait3A_107 : memref<1x56x256xf32, #tpu.memory_space<vmem>> -> memref<56x256xf32, #tpu.memory_space<vmem>>
      %dma_wait3A_109 = arith.constant 0 : i32
      %dma_wait3A_110 = tpu.memref_slice %arg4[%add3A_64, %dma_wait3A_109] : memref<7168x256xf32, #tpu.memory_space<hbm>> -> memref<56x256xf32, #tpu.memory_space<hbm>>
      %dma_wait3A_111 = arith.constant 0 : i32
      %dma_wait3A_112 = tpu.memref_slice %arg4[%add3A_64, %dma_wait3A_111] : memref<7168x256xf32, #tpu.memory_space<hbm>> -> memref<56x256xf32, #tpu.memory_space<hbm>>
      %dma_wait3A_113 = arith.constant 0 : i32
      %dma_wait3A_114 = arith.constant 0 : i32
      %dma_wait3A_115 = tpu.memref_slice %arg6[%run_scoped3A_65, %dma_wait3A_113, %dma_wait3A_114] : memref<4x56x256xf32, #tpu.memory_space<vmem>> -> memref<1x56x256xf32, #tpu.memory_space<vmem>>
      %dma_wait3A_116 = tpu.memref_squeeze %dma_wait3A_115 : memref<1x56x256xf32, #tpu.memory_space<vmem>> -> memref<56x256xf32, #tpu.memory_space<vmem>>
      tpu.wait_dma2 semaphore(%run_scoped3A_92 : memref<!tpu.dma_semaphore, #tpu.memory_space<semaphore_mem>>) src(%dma_wait3A_116 : memref<56x256xf32, #tpu.memory_space<vmem>>) dst(%dma_wait3A_112 : memref<56x256xf32, #tpu.memory_space<hbm>>)
      tpu.yield
    }) : () -> ()
    %dma_wait3A_66 = arith.constant 2 : i32
    %dma_wait3A_67 = arith.constant 0 : i32
    %dma_wait3A_68 = arith.constant 0 : i32
    %dma_wait3A_69 = tpu.memref_slice %arg6[%dma_wait3A_66, %dma_wait3A_67, %dma_wait3A_68] : memref<4x56x256xf32, #tpu.memory_space<vmem>> -> memref<1x56x256xf32, #tpu.memory_space<vmem>>
    %dma_wait3A_70 = tpu.memref_squeeze %dma_wait3A_69 : memref<1x56x256xf32, #tpu.memory_space<vmem>> -> memref<56x256xf32, #tpu.memory_space<vmem>>
    %dma_wait3A_71 = arith.constant 112 : i32
    %dma_wait3A_72 = tpu.memref_slice %arg5[%dma_wait3A_71] : memref<224xi32, #tpu.memory_space<vmem>> -> memref<56xi32, #tpu.memory_space<vmem>>
    %dma_wait3A_73 = arith.constant 0 : i32
    %dma_wait3A_74 = arith.constant 0 : i32
    %dma_wait3A_75 = tpu.memref_slice %arg2[%dma_wait3A_73, %dma_wait3A_74] : memref<1024x256xf32, #tpu.memory_space<hbm>> -> memref<1024x256xf32, #tpu.memory_space<hbm>>
    tpu.wait_indirect_dma semaphore(%arg9 : memref<!tpu.dma_semaphore, #tpu.memory_space<semaphore_mem>>) src(%dma_wait3A_75 : memref<1024x256xf32, #tpu.memory_space<hbm>>) dst(%dma_wait3A_70 : memref<56x256xf32, #tpu.memory_space<vmem>>)
    %add3A_76 = arith.constant 112 : i32
    %add3A_77 = arith.addi %mul3A_2, %add3A_76 : i32
    %run_scoped3A_78 = arith.constant 2 : i32
    "tpu.region"() ({
      %run_scoped3A_92 = tpu.sem_alloc : memref<!tpu.dma_semaphore, #tpu.memory_space<semaphore_mem>>
      %dma_start3A_93 = arith.constant 0 : i32
      %dma_start3A_94 = arith.constant 0 : i32
      %dma_start3A_95 = tpu.memref_slice %arg6[%run_scoped3A_78, %dma_start3A_93, %dma_start3A_94] : memref<4x56x256xf32, #tpu.memory_space<vmem>> -> memref<1x56x256xf32, #tpu.memory_space<vmem>>
      %dma_start3A_96 = tpu.memref_squeeze %dma_start3A_95 : memref<1x56x256xf32, #tpu.memory_space<vmem>> -> memref<56x256xf32, #tpu.memory_space<vmem>>
      %dma_start3A_97 = arith.constant 0 : i32
      %dma_start3A_98 = tpu.memref_slice %arg4[%add3A_77, %dma_start3A_97] : memref<7168x256xf32, #tpu.memory_space<hbm>> -> memref<56x256xf32, #tpu.memory_space<hbm>>
      %dma_start3A_99 = arith.constant 0 : i32
      %dma_start3A_100 = tpu.memref_slice %arg4[%add3A_77, %dma_start3A_99] : memref<7168x256xf32, #tpu.memory_space<hbm>> -> memref<56x256xf32, #tpu.memory_space<hbm>>
      %dma_start3A_101 = arith.constant 0 : i32
      %dma_start3A_102 = arith.constant 0 : i32
      %dma_start3A_103 = tpu.memref_slice %arg6[%run_scoped3A_78, %dma_start3A_101, %dma_start3A_102] : memref<4x56x256xf32, #tpu.memory_space<vmem>> -> memref<1x56x256xf32, #tpu.memory_space<vmem>>
      %dma_start3A_104 = tpu.memref_squeeze %dma_start3A_103 : memref<1x56x256xf32, #tpu.memory_space<vmem>> -> memref<56x256xf32, #tpu.memory_space<vmem>>
      tpu.enqueue_dma source(%dma_start3A_104 : memref<56x256xf32, #tpu.memory_space<vmem>>) target(%dma_start3A_100 : memref<56x256xf32, #tpu.memory_space<hbm>>) target_semaphore(%run_scoped3A_92 : memref<!tpu.dma_semaphore, #tpu.memory_space<semaphore_mem>>)
      %dma_wait3A_105 = arith.constant 0 : i32
      %dma_wait3A_106 = arith.constant 0 : i32
      %dma_wait3A_107 = tpu.memref_slice %arg6[%run_scoped3A_78, %dma_wait3A_105, %dma_wait3A_106] : memref<4x56x256xf32, #tpu.memory_space<vmem>> -> memref<1x56x256xf32, #tpu.memory_space<vmem>>
      %dma_wait3A_108 = tpu.memref_squeeze %dma_wait3A_107 : memref<1x56x256xf32, #tpu.memory_space<vmem>> -> memref<56x256xf32, #tpu.memory_space<vmem>>
      %dma_wait3A_109 = arith.constant 0 : i32
      %dma_wait3A_110 = tpu.memref_slice %arg4[%add3A_77, %dma_wait3A_109] : memref<7168x256xf32, #tpu.memory_space<hbm>> -> memref<56x256xf32, #tpu.memory_space<hbm>>
      %dma_wait3A_111 = arith.constant 0 : i32
      %dma_wait3A_112 = tpu.memref_slice %arg4[%add3A_77, %dma_wait3A_111] : memref<7168x256xf32, #tpu.memory_space<hbm>> -> memref<56x256xf32, #tpu.memory_space<hbm>>
      %dma_wait3A_113 = arith.constant 0 : i32
      %dma_wait3A_114 = arith.constant 0 : i32
      %dma_wait3A_115 = tpu.memref_slice %arg6[%run_scoped3A_78, %dma_wait3A_113, %dma_wait3A_114] : memref<4x56x256xf32, #tpu.memory_space<vmem>> -> memref<1x56x256xf32, #tpu.memory_space<vmem>>
      %dma_wait3A_116 = tpu.memref_squeeze %dma_wait3A_115 : memref<1x56x256xf32, #tpu.memory_space<vmem>> -> memref<56x256xf32, #tpu.memory_space<vmem>>
      tpu.wait_dma2 semaphore(%run_scoped3A_92 : memref<!tpu.dma_semaphore, #tpu.memory_space<semaphore_mem>>) src(%dma_wait3A_116 : memref<56x256xf32, #tpu.memory_space<vmem>>) dst(%dma_wait3A_112 : memref<56x256xf32, #tpu.memory_space<hbm>>)
      tpu.yield
    }) : () -> ()
    %dma_wait3A_79 = arith.constant 3 : i32
    %dma_wait3A_80 = arith.constant 0 : i32
    %dma_wait3A_81 = arith.constant 0 : i32
    %dma_wait3A_82 = tpu.memref_slice %arg6[%dma_wait3A_79, %dma_wait3A_80, %dma_wait3A_81] : memref<4x56x256xf32, #tpu.memory_space<vmem>> -> memref<1x56x256xf32, #tpu.memory_space<vmem>>
    %dma_wait3A_83 = tpu.memref_squeeze %dma_wait3A_82 : memref<1x56x256xf32, #tpu.memory_space<vmem>> -> memref<56x256xf32, #tpu.memory_space<vmem>>
    %dma_wait3A_84 = arith.constant 168 : i32
    %dma_wait3A_85 = tpu.memref_slice %arg5[%dma_wait3A_84] : memref<224xi32, #tpu.memory_space<vmem>> -> memref<56xi32, #tpu.memory_space<vmem>>
    %dma_wait3A_86 = arith.constant 0 : i32
    %dma_wait3A_87 = arith.constant 0 : i32
    %dma_wait3A_88 = tpu.memref_slice %arg2[%dma_wait3A_86, %dma_wait3A_87] : memref<1024x256xf32, #tpu.memory_space<hbm>> -> memref<1024x256xf32, #tpu.memory_space<hbm>>
    tpu.wait_indirect_dma semaphore(%arg10 : memref<!tpu.dma_semaphore, #tpu.memory_space<semaphore_mem>>) src(%dma_wait3A_88 : memref<1024x256xf32, #tpu.memory_space<hbm>>) dst(%dma_wait3A_83 : memref<56x256xf32, #tpu.memory_space<vmem>>)
    %add3A_89 = arith.constant 168 : i32
    %add3A_90 = arith.addi %mul3A_2, %add3A_89 : i32
    %run_scoped3A_91 = arith.constant 3 : i32
    "tpu.region"() ({
      %run_scoped3A_92 = tpu.sem_alloc : memref<!tpu.dma_semaphore, #tpu.memory_space<semaphore_mem>>
      %dma_start3A_93 = arith.constant 0 : i32
      %dma_start3A_94 = arith.constant 0 : i32
      %dma_start3A_95 = tpu.memref_slice %arg6[%run_scoped3A_91, %dma_start3A_93, %dma_start3A_94] : memref<4x56x256xf32, #tpu.memory_space<vmem>> -> memref<1x56x256xf32, #tpu.memory_space<vmem>>
      %dma_start3A_96 = tpu.memref_squeeze %dma_start3A_95 : memref<1x56x256xf32, #tpu.memory_space<vmem>> -> memref<56x256xf32, #tpu.memory_space<vmem>>
      %dma_start3A_97 = arith.constant 0 : i32
      %dma_start3A_98 = tpu.memref_slice %arg4[%add3A_90, %dma_start3A_97] : memref<7168x256xf32, #tpu.memory_space<hbm>> -> memref<56x256xf32, #tpu.memory_space<hbm>>
      %dma_start3A_99 = arith.constant 0 : i32
      %dma_start3A_100 = tpu.memref_slice %arg4[%add3A_90, %dma_start3A_99] : memref<7168x256xf32, #tpu.memory_space<hbm>> -> memref<56x256xf32, #tpu.memory_space<hbm>>
      %dma_start3A_101 = arith.constant 0 : i32
      %dma_start3A_102 = arith.constant 0 : i32
      %dma_start3A_103 = tpu.memref_slice %arg6[%run_scoped3A_91, %dma_start3A_101, %dma_start3A_102] : memref<4x56x256xf32, #tpu.memory_space<vmem>> -> memref<1x56x256xf32, #tpu.memory_space<vmem>>
      %dma_start3A_104 = tpu.memref_squeeze %dma_start3A_103 : memref<1x56x256xf32, #tpu.memory_space<vmem>> -> memref<56x256xf32, #tpu.memory_space<vmem>>
      tpu.enqueue_dma source(%dma_start3A_104 : memref<56x256xf32, #tpu.memory_space<vmem>>) target(%dma_start3A_100 : memref<56x256xf32, #tpu.memory_space<hbm>>) target_semaphore(%run_scoped3A_92 : memref<!tpu.dma_semaphore, #tpu.memory_space<semaphore_mem>>)
      %dma_wait3A_105 = arith.constant 0 : i32
      %dma_wait3A_106 = arith.constant 0 : i32
      %dma_wait3A_107 = tpu.memref_slice %arg6[%run_scoped3A_91, %dma_wait3A_105, %dma_wait3A_106] : memref<4x56x256xf32, #tpu.memory_space<vmem>> -> memref<1x56x256xf32, #tpu.memory_space<vmem>>
      %dma_wait3A_108 = tpu.memref_squeeze %dma_wait3A_107 : memref<1x56x256xf32, #tpu.memory_space<vmem>> -> memref<56x256xf32, #tpu.memory_space<vmem>>
      %dma_wait3A_109 = arith.constant 0 : i32
      %dma_wait3A_110 = tpu.memref_slice %arg4[%add3A_90, %dma_wait3A_109] : memref<7168x256xf32, #tpu.memory_space<hbm>> -> memref<56x256xf32, #tpu.memory_space<hbm>>
      %dma_wait3A_111 = arith.constant 0 : i32
      %dma_wait3A_112 = tpu.memref_slice %arg4[%add3A_90, %dma_wait3A_111] : memref<7168x256xf32, #tpu.memory_space<hbm>> -> memref<56x256xf32, #tpu.memory_space<hbm>>
      %dma_wait3A_113 = arith.constant 0 : i32
      %dma_wait3A_114 = arith.constant 0 : i32
      %dma_wait3A_115 = tpu.memref_slice %arg6[%run_scoped3A_91, %dma_wait3A_113, %dma_wait3A_114] : memref<4x56x256xf32, #tpu.memory_space<vmem>> -> memref<1x56x256xf32, #tpu.memory_space<vmem>>
      %dma_wait3A_116 = tpu.memref_squeeze %dma_wait3A_115 : memref<1x56x256xf32, #tpu.memory_space<vmem>> -> memref<56x256xf32, #tpu.memory_space<vmem>>
      tpu.wait_dma2 semaphore(%run_scoped3A_92 : memref<!tpu.dma_semaphore, #tpu.memory_space<semaphore_mem>>) src(%dma_wait3A_116 : memref<56x256xf32, #tpu.memory_space<vmem>>) dst(%dma_wait3A_112 : memref<56x256xf32, #tpu.memory_space<hbm>>)
      tpu.yield
    }) : () -> ()
    return
  }
}

module attributes {stable_mosaic.version = 14 : i64} {
  func.func @_refine_body(%arg0: i32, %arg1: memref<1x1x256xi32, #tpu.memory_space<vmem>>, %arg2: memref<256x1xi32, #tpu.memory_space<vmem>>, %arg3: memref<256x256xf32, #tpu.memory_space<vmem>>, %arg4: memref<7x256x256xf32, #tpu.memory_space<vmem>>, %arg5: memref<7x256xi32, #tpu.memory_space<vmem>>, %arg6: memref<1x1x256xi32, #tpu.memory_space<vmem>>, %arg7: memref<256x256xf32, #tpu.memory_space<vmem>>, %arg8: memref<1x1xf32, #tpu.memory_space<vmem>>, %arg9: memref<1x1xf32, #tpu.memory_space<vmem>>, %arg10: memref<1x1024xf32, #tpu.memory_space<vmem>>, %arg11: memref<2xf32, #tpu.memory_space<smem>>) attributes {dimension_semantics = [#tpu.dimension_semantics<arbitrary>], iteration_bounds = array<i64: 4>, scalar_prefetch = 0 : i64, scratch_operands = 2 : i64, tpu.core_type = #tpu.core_type<tc>, window_params = [{transform_indices = @transform_0, window_bounds = array<i64: 1, 1, 256>}, {transform_indices = @transform_1, window_bounds = array<i64: 256, 1>}, {transform_indices = @transform_2, window_bounds = array<i64: 256, 256>}, {transform_indices = @transform_3, window_bounds = array<i64: 7, 256, 256>}, {transform_indices = @transform_4, window_bounds = array<i64: 7, 256>}, {transform_indices = @transform_5, window_bounds = array<i64: 1, 1, 256>}, {transform_indices = @transform_6, window_bounds = array<i64: 256, 256>}, {pipeline_mode = #tpu.pipeline_mode<synchronous>, transform_indices = @transform_7, window_bounds = array<i64: 1, 1>}, {pipeline_mode = #tpu.pipeline_mode<synchronous>, transform_indices = @transform_8, window_bounds = array<i64: 1, 1>}]} {
    %eq3A = arith.constant 0 : i32
    %eq3A_0 = arith.cmpi eq, %arg0, %eq3A : i32
    %convert_element_type3A = arith.extui %eq3A_0 : i1 to i32
    %cond3A = arith.constant 0 : i32
    %cond3A_1 = arith.cmpi ne, %convert_element_type3A, %cond3A : i32
    scf.if %cond3A_1 {
      %broadcast_in_dim3A_570 = arith.constant 0.000000e+00 : f32
      %broadcast_in_dim3A_571 = vector.broadcast %broadcast_in_dim3A_570 : f32 to vector<1x1024xf32>
      %swap3A_572 = arith.constant 0 : index
      %swap3A_573 = arith.constant 0 : index
      %swap3A_574 = vector.load %arg10[%swap3A_572, %swap3A_573] : memref<1x1024xf32, #tpu.memory_space<vmem>>, vector<1x1024xf32>
      tpu.vector_store %arg10[%swap3A_572, %swap3A_573], %broadcast_in_dim3A_571 {strides = array<i32>} : memref<1x1024xf32, #tpu.memory_space<vmem>>, vector<1x1024xf32>,
      %swap3A_575 = arith.constant 0.000000e+00 : f32
      %swap3A_576 = arith.constant 0 : index
      %swap3A_577 = memref.load %arg11[%swap3A_576] : memref<2xf32, #tpu.memory_space<smem>>
      memref.store %swap3A_575, %arg11[%swap3A_576] : memref<2xf32, #tpu.memory_space<smem>>
      %swap3A_578 = arith.constant 0.000000e+00 : f32
      %swap3A_579 = arith.constant 1 : index
      %swap3A_580 = memref.load %arg11[%swap3A_579] : memref<2xf32, #tpu.memory_space<smem>>
      memref.store %swap3A_578, %arg11[%swap3A_579] : memref<2xf32, #tpu.memory_space<smem>>
    } else {
    }
    %get3A = arith.constant 0 : index
    %get3A_2 = arith.constant 0 : index
    %get3A_3 = vector.load %arg3[%get3A, %get3A_2] : memref<256x256xf32, #tpu.memory_space<vmem>>, vector<256x256xf32>
    %transpose3A = tpu.transpose %get3A_3, [1, 0] : vector<256x256xf32> -> vector<256x256xf32>
    %get3A_4 = arith.constant 0 : index
    %get3A_5 = arith.constant 0 : index
    %get3A_6 = arith.constant 0 : index
    %get3A_7 = vector.load %arg4[%get3A_4, %get3A_5, %get3A_6] : memref<7x256x256xf32, #tpu.memory_space<vmem>>, vector<1x256x256xf32>
    %get3A_8 = vector.shape_cast %get3A_7 : vector<1x256x256xf32> to vector<256x256xf32>
    %transpose3A_9 = tpu.transpose %get3A_8, [1, 0] : vector<256x256xf32> -> vector<256x256xf32>
    %sub3A = arith.subf %transpose3A, %transpose3A_9 : vector<256x256xf32>
    %mul3A = arith.mulf %sub3A, %sub3A : vector<256x256xf32>
    %reshape3A = vector.shape_cast %mul3A : vector<256x256xf32> to vector<2x16x8x256xf32>
    %slice3A = vector.extract_strided_slice %reshape3A {offsets = [0, 0, 0, 0], sizes = [2, 1, 8, 256], strides = [1, 1, 1, 1]} : vector<2x16x8x256xf32> to vector<2x1x8x256xf32>
    %squeeze3A = vector.shape_cast %slice3A : vector<2x1x8x256xf32> to vector<2x8x256xf32>
    %slice3A_10 = vector.extract_strided_slice %reshape3A {offsets = [0, 1, 0, 0], sizes = [2, 1, 8, 256], strides = [1, 1, 1, 1]} : vector<2x16x8x256xf32> to vector<2x1x8x256xf32>
    %squeeze3A_11 = vector.shape_cast %slice3A_10 : vector<2x1x8x256xf32> to vector<2x8x256xf32>
    %add3A = arith.addf %squeeze3A, %squeeze3A_11 : vector<2x8x256xf32>
    %slice3A_12 = vector.extract_strided_slice %reshape3A {offsets = [0, 2, 0, 0], sizes = [2, 1, 8, 256], strides = [1, 1, 1, 1]} : vector<2x16x8x256xf32> to vector<2x1x8x256xf32>
    %squeeze3A_13 = vector.shape_cast %slice3A_12 : vector<2x1x8x256xf32> to vector<2x8x256xf32>
    %add3A_14 = arith.addf %add3A, %squeeze3A_13 : vector<2x8x256xf32>
    %slice3A_15 = vector.extract_strided_slice %reshape3A {offsets = [0, 3, 0, 0], sizes = [2, 1, 8, 256], strides = [1, 1, 1, 1]} : vector<2x16x8x256xf32> to vector<2x1x8x256xf32>
    %squeeze3A_16 = vector.shape_cast %slice3A_15 : vector<2x1x8x256xf32> to vector<2x8x256xf32>
    %add3A_17 = arith.addf %add3A_14, %squeeze3A_16 : vector<2x8x256xf32>
    %slice3A_18 = vector.extract_strided_slice %reshape3A {offsets = [0, 4, 0, 0], sizes = [2, 1, 8, 256], strides = [1, 1, 1, 1]} : vector<2x16x8x256xf32> to vector<2x1x8x256xf32>
    %squeeze3A_19 = vector.shape_cast %slice3A_18 : vector<2x1x8x256xf32> to vector<2x8x256xf32>
    %add3A_20 = arith.addf %add3A_17, %squeeze3A_19 : vector<2x8x256xf32>
    %slice3A_21 = vector.extract_strided_slice %reshape3A {offsets = [0, 5, 0, 0], sizes = [2, 1, 8, 256], strides = [1, 1, 1, 1]} : vector<2x16x8x256xf32> to vector<2x1x8x256xf32>
    %squeeze3A_22 = vector.shape_cast %slice3A_21 : vector<2x1x8x256xf32> to vector<2x8x256xf32>
    %add3A_23 = arith.addf %add3A_20, %squeeze3A_22 : vector<2x8x256xf32>
    %slice3A_24 = vector.extract_strided_slice %reshape3A {offsets = [0, 6, 0, 0], sizes = [2, 1, 8, 256], strides = [1, 1, 1, 1]} : vector<2x16x8x256xf32> to vector<2x1x8x256xf32>
    %squeeze3A_25 = vector.shape_cast %slice3A_24 : vector<2x1x8x256xf32> to vector<2x8x256xf32>
    %add3A_26 = arith.addf %add3A_23, %squeeze3A_25 : vector<2x8x256xf32>
    %slice3A_27 = vector.extract_strided_slice %reshape3A {offsets = [0, 7, 0, 0], sizes = [2, 1, 8, 256], strides = [1, 1, 1, 1]} : vector<2x16x8x256xf32> to vector<2x1x8x256xf32>
    %squeeze3A_28 = vector.shape_cast %slice3A_27 : vector<2x1x8x256xf32> to vector<2x8x256xf32>
    %add3A_29 = arith.addf %add3A_26, %squeeze3A_28 : vector<2x8x256xf32>
    %slice3A_30 = vector.extract_strided_slice %reshape3A {offsets = [0, 8, 0, 0], sizes = [2, 1, 8, 256], strides = [1, 1, 1, 1]} : vector<2x16x8x256xf32> to vector<2x1x8x256xf32>
    %squeeze3A_31 = vector.shape_cast %slice3A_30 : vector<2x1x8x256xf32> to vector<2x8x256xf32>
    %add3A_32 = arith.addf %add3A_29, %squeeze3A_31 : vector<2x8x256xf32>
    %slice3A_33 = vector.extract_strided_slice %reshape3A {offsets = [0, 9, 0, 0], sizes = [2, 1, 8, 256], strides = [1, 1, 1, 1]} : vector<2x16x8x256xf32> to vector<2x1x8x256xf32>
    %squeeze3A_34 = vector.shape_cast %slice3A_33 : vector<2x1x8x256xf32> to vector<2x8x256xf32>
    %add3A_35 = arith.addf %add3A_32, %squeeze3A_34 : vector<2x8x256xf32>
    %slice3A_36 = vector.extract_strided_slice %reshape3A {offsets = [0, 10, 0, 0], sizes = [2, 1, 8, 256], strides = [1, 1, 1, 1]} : vector<2x16x8x256xf32> to vector<2x1x8x256xf32>
    %squeeze3A_37 = vector.shape_cast %slice3A_36 : vector<2x1x8x256xf32> to vector<2x8x256xf32>
    %add3A_38 = arith.addf %add3A_35, %squeeze3A_37 : vector<2x8x256xf32>
    %slice3A_39 = vector.extract_strided_slice %reshape3A {offsets = [0, 11, 0, 0], sizes = [2, 1, 8, 256], strides = [1, 1, 1, 1]} : vector<2x16x8x256xf32> to vector<2x1x8x256xf32>
    %squeeze3A_40 = vector.shape_cast %slice3A_39 : vector<2x1x8x256xf32> to vector<2x8x256xf32>
    %add3A_41 = arith.addf %add3A_38, %squeeze3A_40 : vector<2x8x256xf32>
    %slice3A_42 = vector.extract_strided_slice %reshape3A {offsets = [0, 12, 0, 0], sizes = [2, 1, 8, 256], strides = [1, 1, 1, 1]} : vector<2x16x8x256xf32> to vector<2x1x8x256xf32>
    %squeeze3A_43 = vector.shape_cast %slice3A_42 : vector<2x1x8x256xf32> to vector<2x8x256xf32>
    %add3A_44 = arith.addf %add3A_41, %squeeze3A_43 : vector<2x8x256xf32>
    %slice3A_45 = vector.extract_strided_slice %reshape3A {offsets = [0, 13, 0, 0], sizes = [2, 1, 8, 256], strides = [1, 1, 1, 1]} : vector<2x16x8x256xf32> to vector<2x1x8x256xf32>
    %squeeze3A_46 = vector.shape_cast %slice3A_45 : vector<2x1x8x256xf32> to vector<2x8x256xf32>
    %add3A_47 = arith.addf %add3A_44, %squeeze3A_46 : vector<2x8x256xf32>
    %slice3A_48 = vector.extract_strided_slice %reshape3A {offsets = [0, 14, 0, 0], sizes = [2, 1, 8, 256], strides = [1, 1, 1, 1]} : vector<2x16x8x256xf32> to vector<2x1x8x256xf32>
    %squeeze3A_49 = vector.shape_cast %slice3A_48 : vector<2x1x8x256xf32> to vector<2x8x256xf32>
    %add3A_50 = arith.addf %add3A_47, %squeeze3A_49 : vector<2x8x256xf32>
    %slice3A_51 = vector.extract_strided_slice %reshape3A {offsets = [0, 15, 0, 0], sizes = [2, 1, 8, 256], strides = [1, 1, 1, 1]} : vector<2x16x8x256xf32> to vector<2x1x8x256xf32>
    %squeeze3A_52 = vector.shape_cast %slice3A_51 : vector<2x1x8x256xf32> to vector<2x8x256xf32>
    %add3A_53 = arith.addf %add3A_50, %squeeze3A_52 : vector<2x8x256xf32>
    %slice3A_54 = vector.extract_strided_slice %add3A_53 {offsets = [0, 0, 0], sizes = [2, 1, 256], strides = [1, 1, 1]} : vector<2x8x256xf32> to vector<2x1x256xf32>
    %squeeze3A_55 = vector.shape_cast %slice3A_54 : vector<2x1x256xf32> to vector<2x256xf32>
    %slice3A_56 = vector.extract_strided_slice %add3A_53 {offsets = [0, 4, 0], sizes = [2, 1, 256], strides = [1, 1, 1]} : vector<2x8x256xf32> to vector<2x1x256xf32>
    %squeeze3A_57 = vector.shape_cast %slice3A_56 : vector<2x1x256xf32> to vector<2x256xf32>
    %add3A_58 = arith.addf %squeeze3A_55, %squeeze3A_57 : vector<2x256xf32>
    %slice3A_59 = vector.extract_strided_slice %add3A_53 {offsets = [0, 2, 0], sizes = [2, 1, 256], strides = [1, 1, 1]} : vector<2x8x256xf32> to vector<2x1x256xf32>
    %squeeze3A_60 = vector.shape_cast %slice3A_59 : vector<2x1x256xf32> to vector<2x256xf32>
    %slice3A_61 = vector.extract_strided_slice %add3A_53 {offsets = [0, 6, 0], sizes = [2, 1, 256], strides = [1, 1, 1]} : vector<2x8x256xf32> to vector<2x1x256xf32>
    %squeeze3A_62 = vector.shape_cast %slice3A_61 : vector<2x1x256xf32> to vector<2x256xf32>
    %add3A_63 = arith.addf %squeeze3A_60, %squeeze3A_62 : vector<2x256xf32>
    %add3A_64 = arith.addf %add3A_58, %add3A_63 : vector<2x256xf32>
    %slice3A_65 = vector.extract_strided_slice %add3A_53 {offsets = [0, 1, 0], sizes = [2, 1, 256], strides = [1, 1, 1]} : vector<2x8x256xf32> to vector<2x1x256xf32>
    %squeeze3A_66 = vector.shape_cast %slice3A_65 : vector<2x1x256xf32> to vector<2x256xf32>
    %slice3A_67 = vector.extract_strided_slice %add3A_53 {offsets = [0, 5, 0], sizes = [2, 1, 256], strides = [1, 1, 1]} : vector<2x8x256xf32> to vector<2x1x256xf32>
    %squeeze3A_68 = vector.shape_cast %slice3A_67 : vector<2x1x256xf32> to vector<2x256xf32>
    %add3A_69 = arith.addf %squeeze3A_66, %squeeze3A_68 : vector<2x256xf32>
    %slice3A_70 = vector.extract_strided_slice %add3A_53 {offsets = [0, 3, 0], sizes = [2, 1, 256], strides = [1, 1, 1]} : vector<2x8x256xf32> to vector<2x1x256xf32>
    %squeeze3A_71 = vector.shape_cast %slice3A_70 : vector<2x1x256xf32> to vector<2x256xf32>
    %slice3A_72 = vector.extract_strided_slice %add3A_53 {offsets = [0, 7, 0], sizes = [2, 1, 256], strides = [1, 1, 1]} : vector<2x8x256xf32> to vector<2x1x256xf32>
    %squeeze3A_73 = vector.shape_cast %slice3A_72 : vector<2x1x256xf32> to vector<2x256xf32>
    %add3A_74 = arith.addf %squeeze3A_71, %squeeze3A_73 : vector<2x256xf32>
    %add3A_75 = arith.addf %add3A_69, %add3A_74 : vector<2x256xf32>
    %add3A_76 = arith.addf %add3A_64, %add3A_75 : vector<2x256xf32>
    %slice3A_77 = vector.extract_strided_slice %add3A_76 {offsets = [0, 0], sizes = [1, 256], strides = [1, 1]} : vector<2x256xf32> to vector<1x256xf32>
    %slice3A_78 = vector.extract_strided_slice %add3A_76 {offsets = [1, 0], sizes = [1, 256], strides = [1, 1]} : vector<2x256xf32> to vector<1x256xf32>
    %add3A_79 = arith.addf %slice3A_77, %slice3A_78 : vector<1x256xf32>
    %get3A_80 = arith.constant 1 : index
    %get3A_81 = arith.constant 0 : index
    %get3A_82 = arith.constant 0 : index
    %get3A_83 = vector.load %arg4[%get3A_80, %get3A_81, %get3A_82] : memref<7x256x256xf32, #tpu.memory_space<vmem>>, vector<1x256x256xf32>
    %get3A_84 = vector.shape_cast %get3A_83 : vector<1x256x256xf32> to vector<256x256xf32>
    %transpose3A_85 = tpu.transpose %get3A_84, [1, 0] : vector<256x256xf32> -> vector<256x256xf32>
    %sub3A_86 = arith.subf %transpose3A, %transpose3A_85 : vector<256x256xf32>
    %mul3A_87 = arith.mulf %sub3A_86, %sub3A_86 : vector<256x256xf32>
    %reshape3A_88 = vector.shape_cast %mul3A_87 : vector<256x256xf32> to vector<2x16x8x256xf32>
    %slice3A_89 = vector.extract_strided_slice %reshape3A_88 {offsets = [0, 0, 0, 0], sizes = [2, 1, 8, 256], strides = [1, 1, 1, 1]} : vector<2x16x8x256xf32> to vector<2x1x8x256xf32>
    %squeeze3A_90 = vector.shape_cast %slice3A_89 : vector<2x1x8x256xf32> to vector<2x8x256xf32>
    %slice3A_91 = vector.extract_strided_slice %reshape3A_88 {offsets = [0, 1, 0, 0], sizes = [2, 1, 8, 256], strides = [1, 1, 1, 1]} : vector<2x16x8x256xf32> to vector<2x1x8x256xf32>
    %squeeze3A_92 = vector.shape_cast %slice3A_91 : vector<2x1x8x256xf32> to vector<2x8x256xf32>
    %add3A_93 = arith.addf %squeeze3A_90, %squeeze3A_92 : vector<2x8x256xf32>
    %slice3A_94 = vector.extract_strided_slice %reshape3A_88 {offsets = [0, 2, 0, 0], sizes = [2, 1, 8, 256], strides = [1, 1, 1, 1]} : vector<2x16x8x256xf32> to vector<2x1x8x256xf32>
    %squeeze3A_95 = vector.shape_cast %slice3A_94 : vector<2x1x8x256xf32> to vector<2x8x256xf32>
    %add3A_96 = arith.addf %add3A_93, %squeeze3A_95 : vector<2x8x256xf32>
    %slice3A_97 = vector.extract_strided_slice %reshape3A_88 {offsets = [0, 3, 0, 0], sizes = [2, 1, 8, 256], strides = [1, 1, 1, 1]} : vector<2x16x8x256xf32> to vector<2x1x8x256xf32>
    %squeeze3A_98 = vector.shape_cast %slice3A_97 : vector<2x1x8x256xf32> to vector<2x8x256xf32>
    %add3A_99 = arith.addf %add3A_96, %squeeze3A_98 : vector<2x8x256xf32>
    %slice3A_100 = vector.extract_strided_slice %reshape3A_88 {offsets = [0, 4, 0, 0], sizes = [2, 1, 8, 256], strides = [1, 1, 1, 1]} : vector<2x16x8x256xf32> to vector<2x1x8x256xf32>
    %squeeze3A_101 = vector.shape_cast %slice3A_100 : vector<2x1x8x256xf32> to vector<2x8x256xf32>
    %add3A_102 = arith.addf %add3A_99, %squeeze3A_101 : vector<2x8x256xf32>
    %slice3A_103 = vector.extract_strided_slice %reshape3A_88 {offsets = [0, 5, 0, 0], sizes = [2, 1, 8, 256], strides = [1, 1, 1, 1]} : vector<2x16x8x256xf32> to vector<2x1x8x256xf32>
    %squeeze3A_104 = vector.shape_cast %slice3A_103 : vector<2x1x8x256xf32> to vector<2x8x256xf32>
    %add3A_105 = arith.addf %add3A_102, %squeeze3A_104 : vector<2x8x256xf32>
    %slice3A_106 = vector.extract_strided_slice %reshape3A_88 {offsets = [0, 6, 0, 0], sizes = [2, 1, 8, 256], strides = [1, 1, 1, 1]} : vector<2x16x8x256xf32> to vector<2x1x8x256xf32>
    %squeeze3A_107 = vector.shape_cast %slice3A_106 : vector<2x1x8x256xf32> to vector<2x8x256xf32>
    %add3A_108 = arith.addf %add3A_105, %squeeze3A_107 : vector<2x8x256xf32>
    %slice3A_109 = vector.extract_strided_slice %reshape3A_88 {offsets = [0, 7, 0, 0], sizes = [2, 1, 8, 256], strides = [1, 1, 1, 1]} : vector<2x16x8x256xf32> to vector<2x1x8x256xf32>
    %squeeze3A_110 = vector.shape_cast %slice3A_109 : vector<2x1x8x256xf32> to vector<2x8x256xf32>
    %add3A_111 = arith.addf %add3A_108, %squeeze3A_110 : vector<2x8x256xf32>
    %slice3A_112 = vector.extract_strided_slice %reshape3A_88 {offsets = [0, 8, 0, 0], sizes = [2, 1, 8, 256], strides = [1, 1, 1, 1]} : vector<2x16x8x256xf32> to vector<2x1x8x256xf32>
    %squeeze3A_113 = vector.shape_cast %slice3A_112 : vector<2x1x8x256xf32> to vector<2x8x256xf32>
    %add3A_114 = arith.addf %add3A_111, %squeeze3A_113 : vector<2x8x256xf32>
    %slice3A_115 = vector.extract_strided_slice %reshape3A_88 {offsets = [0, 9, 0, 0], sizes = [2, 1, 8, 256], strides = [1, 1, 1, 1]} : vector<2x16x8x256xf32> to vector<2x1x8x256xf32>
    %squeeze3A_116 = vector.shape_cast %slice3A_115 : vector<2x1x8x256xf32> to vector<2x8x256xf32>
    %add3A_117 = arith.addf %add3A_114, %squeeze3A_116 : vector<2x8x256xf32>
    %slice3A_118 = vector.extract_strided_slice %reshape3A_88 {offsets = [0, 10, 0, 0], sizes = [2, 1, 8, 256], strides = [1, 1, 1, 1]} : vector<2x16x8x256xf32> to vector<2x1x8x256xf32>
    %squeeze3A_119 = vector.shape_cast %slice3A_118 : vector<2x1x8x256xf32> to vector<2x8x256xf32>
    %add3A_120 = arith.addf %add3A_117, %squeeze3A_119 : vector<2x8x256xf32>
    %slice3A_121 = vector.extract_strided_slice %reshape3A_88 {offsets = [0, 11, 0, 0], sizes = [2, 1, 8, 256], strides = [1, 1, 1, 1]} : vector<2x16x8x256xf32> to vector<2x1x8x256xf32>
    %squeeze3A_122 = vector.shape_cast %slice3A_121 : vector<2x1x8x256xf32> to vector<2x8x256xf32>
    %add3A_123 = arith.addf %add3A_120, %squeeze3A_122 : vector<2x8x256xf32>
    %slice3A_124 = vector.extract_strided_slice %reshape3A_88 {offsets = [0, 12, 0, 0], sizes = [2, 1, 8, 256], strides = [1, 1, 1, 1]} : vector<2x16x8x256xf32> to vector<2x1x8x256xf32>
    %squeeze3A_125 = vector.shape_cast %slice3A_124 : vector<2x1x8x256xf32> to vector<2x8x256xf32>
    %add3A_126 = arith.addf %add3A_123, %squeeze3A_125 : vector<2x8x256xf32>
    %slice3A_127 = vector.extract_strided_slice %reshape3A_88 {offsets = [0, 13, 0, 0], sizes = [2, 1, 8, 256], strides = [1, 1, 1, 1]} : vector<2x16x8x256xf32> to vector<2x1x8x256xf32>
    %squeeze3A_128 = vector.shape_cast %slice3A_127 : vector<2x1x8x256xf32> to vector<2x8x256xf32>
    %add3A_129 = arith.addf %add3A_126, %squeeze3A_128 : vector<2x8x256xf32>
    %slice3A_130 = vector.extract_strided_slice %reshape3A_88 {offsets = [0, 14, 0, 0], sizes = [2, 1, 8, 256], strides = [1, 1, 1, 1]} : vector<2x16x8x256xf32> to vector<2x1x8x256xf32>
    %squeeze3A_131 = vector.shape_cast %slice3A_130 : vector<2x1x8x256xf32> to vector<2x8x256xf32>
    %add3A_132 = arith.addf %add3A_129, %squeeze3A_131 : vector<2x8x256xf32>
    %slice3A_133 = vector.extract_strided_slice %reshape3A_88 {offsets = [0, 15, 0, 0], sizes = [2, 1, 8, 256], strides = [1, 1, 1, 1]} : vector<2x16x8x256xf32> to vector<2x1x8x256xf32>
    %squeeze3A_134 = vector.shape_cast %slice3A_133 : vector<2x1x8x256xf32> to vector<2x8x256xf32>
    %add3A_135 = arith.addf %add3A_132, %squeeze3A_134 : vector<2x8x256xf32>
    %slice3A_136 = vector.extract_strided_slice %add3A_135 {offsets = [0, 0, 0], sizes = [2, 1, 256], strides = [1, 1, 1]} : vector<2x8x256xf32> to vector<2x1x256xf32>
    %squeeze3A_137 = vector.shape_cast %slice3A_136 : vector<2x1x256xf32> to vector<2x256xf32>
    %slice3A_138 = vector.extract_strided_slice %add3A_135 {offsets = [0, 4, 0], sizes = [2, 1, 256], strides = [1, 1, 1]} : vector<2x8x256xf32> to vector<2x1x256xf32>
    %squeeze3A_139 = vector.shape_cast %slice3A_138 : vector<2x1x256xf32> to vector<2x256xf32>
    %add3A_140 = arith.addf %squeeze3A_137, %squeeze3A_139 : vector<2x256xf32>
    %slice3A_141 = vector.extract_strided_slice %add3A_135 {offsets = [0, 2, 0], sizes = [2, 1, 256], strides = [1, 1, 1]} : vector<2x8x256xf32> to vector<2x1x256xf32>
    %squeeze3A_142 = vector.shape_cast %slice3A_141 : vector<2x1x256xf32> to vector<2x256xf32>
    %slice3A_143 = vector.extract_strided_slice %add3A_135 {offsets = [0, 6, 0], sizes = [2, 1, 256], strides = [1, 1, 1]} : vector<2x8x256xf32> to vector<2x1x256xf32>
    %squeeze3A_144 = vector.shape_cast %slice3A_143 : vector<2x1x256xf32> to vector<2x256xf32>
    %add3A_145 = arith.addf %squeeze3A_142, %squeeze3A_144 : vector<2x256xf32>
    %add3A_146 = arith.addf %add3A_140, %add3A_145 : vector<2x256xf32>
    %slice3A_147 = vector.extract_strided_slice %add3A_135 {offsets = [0, 1, 0], sizes = [2, 1, 256], strides = [1, 1, 1]} : vector<2x8x256xf32> to vector<2x1x256xf32>
    %squeeze3A_148 = vector.shape_cast %slice3A_147 : vector<2x1x256xf32> to vector<2x256xf32>
    %slice3A_149 = vector.extract_strided_slice %add3A_135 {offsets = [0, 5, 0], sizes = [2, 1, 256], strides = [1, 1, 1]} : vector<2x8x256xf32> to vector<2x1x256xf32>
    %squeeze3A_150 = vector.shape_cast %slice3A_149 : vector<2x1x256xf32> to vector<2x256xf32>
    %add3A_151 = arith.addf %squeeze3A_148, %squeeze3A_150 : vector<2x256xf32>
    %slice3A_152 = vector.extract_strided_slice %add3A_135 {offsets = [0, 3, 0], sizes = [2, 1, 256], strides = [1, 1, 1]} : vector<2x8x256xf32> to vector<2x1x256xf32>
    %squeeze3A_153 = vector.shape_cast %slice3A_152 : vector<2x1x256xf32> to vector<2x256xf32>
    %slice3A_154 = vector.extract_strided_slice %add3A_135 {offsets = [0, 7, 0], sizes = [2, 1, 256], strides = [1, 1, 1]} : vector<2x8x256xf32> to vector<2x1x256xf32>
    %squeeze3A_155 = vector.shape_cast %slice3A_154 : vector<2x1x256xf32> to vector<2x256xf32>
    %add3A_156 = arith.addf %squeeze3A_153, %squeeze3A_155 : vector<2x256xf32>
    %add3A_157 = arith.addf %add3A_151, %add3A_156 : vector<2x256xf32>
    %add3A_158 = arith.addf %add3A_146, %add3A_157 : vector<2x256xf32>
    %slice3A_159 = vector.extract_strided_slice %add3A_158 {offsets = [0, 0], sizes = [1, 256], strides = [1, 1]} : vector<2x256xf32> to vector<1x256xf32>
    %slice3A_160 = vector.extract_strided_slice %add3A_158 {offsets = [1, 0], sizes = [1, 256], strides = [1, 1]} : vector<2x256xf32> to vector<1x256xf32>
    %add3A_161 = arith.addf %slice3A_159, %slice3A_160 : vector<1x256xf32>
    %get3A_162 = arith.constant 2 : index
    %get3A_163 = arith.constant 0 : index
    %get3A_164 = arith.constant 0 : index
    %get3A_165 = vector.load %arg4[%get3A_162, %get3A_163, %get3A_164] : memref<7x256x256xf32, #tpu.memory_space<vmem>>, vector<1x256x256xf32>
    %get3A_166 = vector.shape_cast %get3A_165 : vector<1x256x256xf32> to vector<256x256xf32>
    %transpose3A_167 = tpu.transpose %get3A_166, [1, 0] : vector<256x256xf32> -> vector<256x256xf32>
    %sub3A_168 = arith.subf %transpose3A, %transpose3A_167 : vector<256x256xf32>
    %mul3A_169 = arith.mulf %sub3A_168, %sub3A_168 : vector<256x256xf32>
    %reshape3A_170 = vector.shape_cast %mul3A_169 : vector<256x256xf32> to vector<2x16x8x256xf32>
    %slice3A_171 = vector.extract_strided_slice %reshape3A_170 {offsets = [0, 0, 0, 0], sizes = [2, 1, 8, 256], strides = [1, 1, 1, 1]} : vector<2x16x8x256xf32> to vector<2x1x8x256xf32>
    %squeeze3A_172 = vector.shape_cast %slice3A_171 : vector<2x1x8x256xf32> to vector<2x8x256xf32>
    %slice3A_173 = vector.extract_strided_slice %reshape3A_170 {offsets = [0, 1, 0, 0], sizes = [2, 1, 8, 256], strides = [1, 1, 1, 1]} : vector<2x16x8x256xf32> to vector<2x1x8x256xf32>
    %squeeze3A_174 = vector.shape_cast %slice3A_173 : vector<2x1x8x256xf32> to vector<2x8x256xf32>
    %add3A_175 = arith.addf %squeeze3A_172, %squeeze3A_174 : vector<2x8x256xf32>
    %slice3A_176 = vector.extract_strided_slice %reshape3A_170 {offsets = [0, 2, 0, 0], sizes = [2, 1, 8, 256], strides = [1, 1, 1, 1]} : vector<2x16x8x256xf32> to vector<2x1x8x256xf32>
    %squeeze3A_177 = vector.shape_cast %slice3A_176 : vector<2x1x8x256xf32> to vector<2x8x256xf32>
    %add3A_178 = arith.addf %add3A_175, %squeeze3A_177 : vector<2x8x256xf32>
    %slice3A_179 = vector.extract_strided_slice %reshape3A_170 {offsets = [0, 3, 0, 0], sizes = [2, 1, 8, 256], strides = [1, 1, 1, 1]} : vector<2x16x8x256xf32> to vector<2x1x8x256xf32>
    %squeeze3A_180 = vector.shape_cast %slice3A_179 : vector<2x1x8x256xf32> to vector<2x8x256xf32>
    %add3A_181 = arith.addf %add3A_178, %squeeze3A_180 : vector<2x8x256xf32>
    %slice3A_182 = vector.extract_strided_slice %reshape3A_170 {offsets = [0, 4, 0, 0], sizes = [2, 1, 8, 256], strides = [1, 1, 1, 1]} : vector<2x16x8x256xf32> to vector<2x1x8x256xf32>
    %squeeze3A_183 = vector.shape_cast %slice3A_182 : vector<2x1x8x256xf32> to vector<2x8x256xf32>
    %add3A_184 = arith.addf %add3A_181, %squeeze3A_183 : vector<2x8x256xf32>
    %slice3A_185 = vector.extract_strided_slice %reshape3A_170 {offsets = [0, 5, 0, 0], sizes = [2, 1, 8, 256], strides = [1, 1, 1, 1]} : vector<2x16x8x256xf32> to vector<2x1x8x256xf32>
    %squeeze3A_186 = vector.shape_cast %slice3A_185 : vector<2x1x8x256xf32> to vector<2x8x256xf32>
    %add3A_187 = arith.addf %add3A_184, %squeeze3A_186 : vector<2x8x256xf32>
    %slice3A_188 = vector.extract_strided_slice %reshape3A_170 {offsets = [0, 6, 0, 0], sizes = [2, 1, 8, 256], strides = [1, 1, 1, 1]} : vector<2x16x8x256xf32> to vector<2x1x8x256xf32>
    %squeeze3A_189 = vector.shape_cast %slice3A_188 : vector<2x1x8x256xf32> to vector<2x8x256xf32>
    %add3A_190 = arith.addf %add3A_187, %squeeze3A_189 : vector<2x8x256xf32>
    %slice3A_191 = vector.extract_strided_slice %reshape3A_170 {offsets = [0, 7, 0, 0], sizes = [2, 1, 8, 256], strides = [1, 1, 1, 1]} : vector<2x16x8x256xf32> to vector<2x1x8x256xf32>
    %squeeze3A_192 = vector.shape_cast %slice3A_191 : vector<2x1x8x256xf32> to vector<2x8x256xf32>
    %add3A_193 = arith.addf %add3A_190, %squeeze3A_192 : vector<2x8x256xf32>
    %slice3A_194 = vector.extract_strided_slice %reshape3A_170 {offsets = [0, 8, 0, 0], sizes = [2, 1, 8, 256], strides = [1, 1, 1, 1]} : vector<2x16x8x256xf32> to vector<2x1x8x256xf32>
    %squeeze3A_195 = vector.shape_cast %slice3A_194 : vector<2x1x8x256xf32> to vector<2x8x256xf32>
    %add3A_196 = arith.addf %add3A_193, %squeeze3A_195 : vector<2x8x256xf32>
    %slice3A_197 = vector.extract_strided_slice %reshape3A_170 {offsets = [0, 9, 0, 0], sizes = [2, 1, 8, 256], strides = [1, 1, 1, 1]} : vector<2x16x8x256xf32> to vector<2x1x8x256xf32>
    %squeeze3A_198 = vector.shape_cast %slice3A_197 : vector<2x1x8x256xf32> to vector<2x8x256xf32>
    %add3A_199 = arith.addf %add3A_196, %squeeze3A_198 : vector<2x8x256xf32>
    %slice3A_200 = vector.extract_strided_slice %reshape3A_170 {offsets = [0, 10, 0, 0], sizes = [2, 1, 8, 256], strides = [1, 1, 1, 1]} : vector<2x16x8x256xf32> to vector<2x1x8x256xf32>
    %squeeze3A_201 = vector.shape_cast %slice3A_200 : vector<2x1x8x256xf32> to vector<2x8x256xf32>
    %add3A_202 = arith.addf %add3A_199, %squeeze3A_201 : vector<2x8x256xf32>
    %slice3A_203 = vector.extract_strided_slice %reshape3A_170 {offsets = [0, 11, 0, 0], sizes = [2, 1, 8, 256], strides = [1, 1, 1, 1]} : vector<2x16x8x256xf32> to vector<2x1x8x256xf32>
    %squeeze3A_204 = vector.shape_cast %slice3A_203 : vector<2x1x8x256xf32> to vector<2x8x256xf32>
    %add3A_205 = arith.addf %add3A_202, %squeeze3A_204 : vector<2x8x256xf32>
    %slice3A_206 = vector.extract_strided_slice %reshape3A_170 {offsets = [0, 12, 0, 0], sizes = [2, 1, 8, 256], strides = [1, 1, 1, 1]} : vector<2x16x8x256xf32> to vector<2x1x8x256xf32>
    %squeeze3A_207 = vector.shape_cast %slice3A_206 : vector<2x1x8x256xf32> to vector<2x8x256xf32>
    %add3A_208 = arith.addf %add3A_205, %squeeze3A_207 : vector<2x8x256xf32>
    %slice3A_209 = vector.extract_strided_slice %reshape3A_170 {offsets = [0, 13, 0, 0], sizes = [2, 1, 8, 256], strides = [1, 1, 1, 1]} : vector<2x16x8x256xf32> to vector<2x1x8x256xf32>
    %squeeze3A_210 = vector.shape_cast %slice3A_209 : vector<2x1x8x256xf32> to vector<2x8x256xf32>
    %add3A_211 = arith.addf %add3A_208, %squeeze3A_210 : vector<2x8x256xf32>
    %slice3A_212 = vector.extract_strided_slice %reshape3A_170 {offsets = [0, 14, 0, 0], sizes = [2, 1, 8, 256], strides = [1, 1, 1, 1]} : vector<2x16x8x256xf32> to vector<2x1x8x256xf32>
    %squeeze3A_213 = vector.shape_cast %slice3A_212 : vector<2x1x8x256xf32> to vector<2x8x256xf32>
    %add3A_214 = arith.addf %add3A_211, %squeeze3A_213 : vector<2x8x256xf32>
    %slice3A_215 = vector.extract_strided_slice %reshape3A_170 {offsets = [0, 15, 0, 0], sizes = [2, 1, 8, 256], strides = [1, 1, 1, 1]} : vector<2x16x8x256xf32> to vector<2x1x8x256xf32>
    %squeeze3A_216 = vector.shape_cast %slice3A_215 : vector<2x1x8x256xf32> to vector<2x8x256xf32>
    %add3A_217 = arith.addf %add3A_214, %squeeze3A_216 : vector<2x8x256xf32>
    %slice3A_218 = vector.extract_strided_slice %add3A_217 {offsets = [0, 0, 0], sizes = [2, 1, 256], strides = [1, 1, 1]} : vector<2x8x256xf32> to vector<2x1x256xf32>
    %squeeze3A_219 = vector.shape_cast %slice3A_218 : vector<2x1x256xf32> to vector<2x256xf32>
    %slice3A_220 = vector.extract_strided_slice %add3A_217 {offsets = [0, 4, 0], sizes = [2, 1, 256], strides = [1, 1, 1]} : vector<2x8x256xf32> to vector<2x1x256xf32>
    %squeeze3A_221 = vector.shape_cast %slice3A_220 : vector<2x1x256xf32> to vector<2x256xf32>
    %add3A_222 = arith.addf %squeeze3A_219, %squeeze3A_221 : vector<2x256xf32>
    %slice3A_223 = vector.extract_strided_slice %add3A_217 {offsets = [0, 2, 0], sizes = [2, 1, 256], strides = [1, 1, 1]} : vector<2x8x256xf32> to vector<2x1x256xf32>
    %squeeze3A_224 = vector.shape_cast %slice3A_223 : vector<2x1x256xf32> to vector<2x256xf32>
    %slice3A_225 = vector.extract_strided_slice %add3A_217 {offsets = [0, 6, 0], sizes = [2, 1, 256], strides = [1, 1, 1]} : vector<2x8x256xf32> to vector<2x1x256xf32>
    %squeeze3A_226 = vector.shape_cast %slice3A_225 : vector<2x1x256xf32> to vector<2x256xf32>
    %add3A_227 = arith.addf %squeeze3A_224, %squeeze3A_226 : vector<2x256xf32>
    %add3A_228 = arith.addf %add3A_222, %add3A_227 : vector<2x256xf32>
    %slice3A_229 = vector.extract_strided_slice %add3A_217 {offsets = [0, 1, 0], sizes = [2, 1, 256], strides = [1, 1, 1]} : vector<2x8x256xf32> to vector<2x1x256xf32>
    %squeeze3A_230 = vector.shape_cast %slice3A_229 : vector<2x1x256xf32> to vector<2x256xf32>
    %slice3A_231 = vector.extract_strided_slice %add3A_217 {offsets = [0, 5, 0], sizes = [2, 1, 256], strides = [1, 1, 1]} : vector<2x8x256xf32> to vector<2x1x256xf32>
    %squeeze3A_232 = vector.shape_cast %slice3A_231 : vector<2x1x256xf32> to vector<2x256xf32>
    %add3A_233 = arith.addf %squeeze3A_230, %squeeze3A_232 : vector<2x256xf32>
    %slice3A_234 = vector.extract_strided_slice %add3A_217 {offsets = [0, 3, 0], sizes = [2, 1, 256], strides = [1, 1, 1]} : vector<2x8x256xf32> to vector<2x1x256xf32>
    %squeeze3A_235 = vector.shape_cast %slice3A_234 : vector<2x1x256xf32> to vector<2x256xf32>
    %slice3A_236 = vector.extract_strided_slice %add3A_217 {offsets = [0, 7, 0], sizes = [2, 1, 256], strides = [1, 1, 1]} : vector<2x8x256xf32> to vector<2x1x256xf32>
    %squeeze3A_237 = vector.shape_cast %slice3A_236 : vector<2x1x256xf32> to vector<2x256xf32>
    %add3A_238 = arith.addf %squeeze3A_235, %squeeze3A_237 : vector<2x256xf32>
    %add3A_239 = arith.addf %add3A_233, %add3A_238 : vector<2x256xf32>
    %add3A_240 = arith.addf %add3A_228, %add3A_239 : vector<2x256xf32>
    %slice3A_241 = vector.extract_strided_slice %add3A_240 {offsets = [0, 0], sizes = [1, 256], strides = [1, 1]} : vector<2x256xf32> to vector<1x256xf32>
    %slice3A_242 = vector.extract_strided_slice %add3A_240 {offsets = [1, 0], sizes = [1, 256], strides = [1, 1]} : vector<2x256xf32> to vector<1x256xf32>
    %add3A_243 = arith.addf %slice3A_241, %slice3A_242 : vector<1x256xf32>
    %get3A_244 = arith.constant 3 : index
    %get3A_245 = arith.constant 0 : index
    %get3A_246 = arith.constant 0 : index
    %get3A_247 = vector.load %arg4[%get3A_244, %get3A_245, %get3A_246] : memref<7x256x256xf32, #tpu.memory_space<vmem>>, vector<1x256x256xf32>
    %get3A_248 = vector.shape_cast %get3A_247 : vector<1x256x256xf32> to vector<256x256xf32>
    %transpose3A_249 = tpu.transpose %get3A_248, [1, 0] : vector<256x256xf32> -> vector<256x256xf32>
    %sub3A_250 = arith.subf %transpose3A, %transpose3A_249 : vector<256x256xf32>
    %mul3A_251 = arith.mulf %sub3A_250, %sub3A_250 : vector<256x256xf32>
    %reshape3A_252 = vector.shape_cast %mul3A_251 : vector<256x256xf32> to vector<2x16x8x256xf32>
    %slice3A_253 = vector.extract_strided_slice %reshape3A_252 {offsets = [0, 0, 0, 0], sizes = [2, 1, 8, 256], strides = [1, 1, 1, 1]} : vector<2x16x8x256xf32> to vector<2x1x8x256xf32>
    %squeeze3A_254 = vector.shape_cast %slice3A_253 : vector<2x1x8x256xf32> to vector<2x8x256xf32>
    %slice3A_255 = vector.extract_strided_slice %reshape3A_252 {offsets = [0, 1, 0, 0], sizes = [2, 1, 8, 256], strides = [1, 1, 1, 1]} : vector<2x16x8x256xf32> to vector<2x1x8x256xf32>
    %squeeze3A_256 = vector.shape_cast %slice3A_255 : vector<2x1x8x256xf32> to vector<2x8x256xf32>
    %add3A_257 = arith.addf %squeeze3A_254, %squeeze3A_256 : vector<2x8x256xf32>
    %slice3A_258 = vector.extract_strided_slice %reshape3A_252 {offsets = [0, 2, 0, 0], sizes = [2, 1, 8, 256], strides = [1, 1, 1, 1]} : vector<2x16x8x256xf32> to vector<2x1x8x256xf32>
    %squeeze3A_259 = vector.shape_cast %slice3A_258 : vector<2x1x8x256xf32> to vector<2x8x256xf32>
    %add3A_260 = arith.addf %add3A_257, %squeeze3A_259 : vector<2x8x256xf32>
    %slice3A_261 = vector.extract_strided_slice %reshape3A_252 {offsets = [0, 3, 0, 0], sizes = [2, 1, 8, 256], strides = [1, 1, 1, 1]} : vector<2x16x8x256xf32> to vector<2x1x8x256xf32>
    %squeeze3A_262 = vector.shape_cast %slice3A_261 : vector<2x1x8x256xf32> to vector<2x8x256xf32>
    %add3A_263 = arith.addf %add3A_260, %squeeze3A_262 : vector<2x8x256xf32>
    %slice3A_264 = vector.extract_strided_slice %reshape3A_252 {offsets = [0, 4, 0, 0], sizes = [2, 1, 8, 256], strides = [1, 1, 1, 1]} : vector<2x16x8x256xf32> to vector<2x1x8x256xf32>
    %squeeze3A_265 = vector.shape_cast %slice3A_264 : vector<2x1x8x256xf32> to vector<2x8x256xf32>
    %add3A_266 = arith.addf %add3A_263, %squeeze3A_265 : vector<2x8x256xf32>
    %slice3A_267 = vector.extract_strided_slice %reshape3A_252 {offsets = [0, 5, 0, 0], sizes = [2, 1, 8, 256], strides = [1, 1, 1, 1]} : vector<2x16x8x256xf32> to vector<2x1x8x256xf32>
    %squeeze3A_268 = vector.shape_cast %slice3A_267 : vector<2x1x8x256xf32> to vector<2x8x256xf32>
    %add3A_269 = arith.addf %add3A_266, %squeeze3A_268 : vector<2x8x256xf32>
    %slice3A_270 = vector.extract_strided_slice %reshape3A_252 {offsets = [0, 6, 0, 0], sizes = [2, 1, 8, 256], strides = [1, 1, 1, 1]} : vector<2x16x8x256xf32> to vector<2x1x8x256xf32>
    %squeeze3A_271 = vector.shape_cast %slice3A_270 : vector<2x1x8x256xf32> to vector<2x8x256xf32>
    %add3A_272 = arith.addf %add3A_269, %squeeze3A_271 : vector<2x8x256xf32>
    %slice3A_273 = vector.extract_strided_slice %reshape3A_252 {offsets = [0, 7, 0, 0], sizes = [2, 1, 8, 256], strides = [1, 1, 1, 1]} : vector<2x16x8x256xf32> to vector<2x1x8x256xf32>
    %squeeze3A_274 = vector.shape_cast %slice3A_273 : vector<2x1x8x256xf32> to vector<2x8x256xf32>
    %add3A_275 = arith.addf %add3A_272, %squeeze3A_274 : vector<2x8x256xf32>
    %slice3A_276 = vector.extract_strided_slice %reshape3A_252 {offsets = [0, 8, 0, 0], sizes = [2, 1, 8, 256], strides = [1, 1, 1, 1]} : vector<2x16x8x256xf32> to vector<2x1x8x256xf32>
    %squeeze3A_277 = vector.shape_cast %slice3A_276 : vector<2x1x8x256xf32> to vector<2x8x256xf32>
    %add3A_278 = arith.addf %add3A_275, %squeeze3A_277 : vector<2x8x256xf32>
    %slice3A_279 = vector.extract_strided_slice %reshape3A_252 {offsets = [0, 9, 0, 0], sizes = [2, 1, 8, 256], strides = [1, 1, 1, 1]} : vector<2x16x8x256xf32> to vector<2x1x8x256xf32>
    %squeeze3A_280 = vector.shape_cast %slice3A_279 : vector<2x1x8x256xf32> to vector<2x8x256xf32>
    %add3A_281 = arith.addf %add3A_278, %squeeze3A_280 : vector<2x8x256xf32>
    %slice3A_282 = vector.extract_strided_slice %reshape3A_252 {offsets = [0, 10, 0, 0], sizes = [2, 1, 8, 256], strides = [1, 1, 1, 1]} : vector<2x16x8x256xf32> to vector<2x1x8x256xf32>
    %squeeze3A_283 = vector.shape_cast %slice3A_282 : vector<2x1x8x256xf32> to vector<2x8x256xf32>
    %add3A_284 = arith.addf %add3A_281, %squeeze3A_283 : vector<2x8x256xf32>
    %slice3A_285 = vector.extract_strided_slice %reshape3A_252 {offsets = [0, 11, 0, 0], sizes = [2, 1, 8, 256], strides = [1, 1, 1, 1]} : vector<2x16x8x256xf32> to vector<2x1x8x256xf32>
    %squeeze3A_286 = vector.shape_cast %slice3A_285 : vector<2x1x8x256xf32> to vector<2x8x256xf32>
    %add3A_287 = arith.addf %add3A_284, %squeeze3A_286 : vector<2x8x256xf32>
    %slice3A_288 = vector.extract_strided_slice %reshape3A_252 {offsets = [0, 12, 0, 0], sizes = [2, 1, 8, 256], strides = [1, 1, 1, 1]} : vector<2x16x8x256xf32> to vector<2x1x8x256xf32>
    %squeeze3A_289 = vector.shape_cast %slice3A_288 : vector<2x1x8x256xf32> to vector<2x8x256xf32>
    %add3A_290 = arith.addf %add3A_287, %squeeze3A_289 : vector<2x8x256xf32>
    %slice3A_291 = vector.extract_strided_slice %reshape3A_252 {offsets = [0, 13, 0, 0], sizes = [2, 1, 8, 256], strides = [1, 1, 1, 1]} : vector<2x16x8x256xf32> to vector<2x1x8x256xf32>
    %squeeze3A_292 = vector.shape_cast %slice3A_291 : vector<2x1x8x256xf32> to vector<2x8x256xf32>
    %add3A_293 = arith.addf %add3A_290, %squeeze3A_292 : vector<2x8x256xf32>
    %slice3A_294 = vector.extract_strided_slice %reshape3A_252 {offsets = [0, 14, 0, 0], sizes = [2, 1, 8, 256], strides = [1, 1, 1, 1]} : vector<2x16x8x256xf32> to vector<2x1x8x256xf32>
    %squeeze3A_295 = vector.shape_cast %slice3A_294 : vector<2x1x8x256xf32> to vector<2x8x256xf32>
    %add3A_296 = arith.addf %add3A_293, %squeeze3A_295 : vector<2x8x256xf32>
    %slice3A_297 = vector.extract_strided_slice %reshape3A_252 {offsets = [0, 15, 0, 0], sizes = [2, 1, 8, 256], strides = [1, 1, 1, 1]} : vector<2x16x8x256xf32> to vector<2x1x8x256xf32>
    %squeeze3A_298 = vector.shape_cast %slice3A_297 : vector<2x1x8x256xf32> to vector<2x8x256xf32>
    %add3A_299 = arith.addf %add3A_296, %squeeze3A_298 : vector<2x8x256xf32>
    %slice3A_300 = vector.extract_strided_slice %add3A_299 {offsets = [0, 0, 0], sizes = [2, 1, 256], strides = [1, 1, 1]} : vector<2x8x256xf32> to vector<2x1x256xf32>
    %squeeze3A_301 = vector.shape_cast %slice3A_300 : vector<2x1x256xf32> to vector<2x256xf32>
    %slice3A_302 = vector.extract_strided_slice %add3A_299 {offsets = [0, 4, 0], sizes = [2, 1, 256], strides = [1, 1, 1]} : vector<2x8x256xf32> to vector<2x1x256xf32>
    %squeeze3A_303 = vector.shape_cast %slice3A_302 : vector<2x1x256xf32> to vector<2x256xf32>
    %add3A_304 = arith.addf %squeeze3A_301, %squeeze3A_303 : vector<2x256xf32>
    %slice3A_305 = vector.extract_strided_slice %add3A_299 {offsets = [0, 2, 0], sizes = [2, 1, 256], strides = [1, 1, 1]} : vector<2x8x256xf32> to vector<2x1x256xf32>
    %squeeze3A_306 = vector.shape_cast %slice3A_305 : vector<2x1x256xf32> to vector<2x256xf32>
    %slice3A_307 = vector.extract_strided_slice %add3A_299 {offsets = [0, 6, 0], sizes = [2, 1, 256], strides = [1, 1, 1]} : vector<2x8x256xf32> to vector<2x1x256xf32>
    %squeeze3A_308 = vector.shape_cast %slice3A_307 : vector<2x1x256xf32> to vector<2x256xf32>
    %add3A_309 = arith.addf %squeeze3A_306, %squeeze3A_308 : vector<2x256xf32>
    %add3A_310 = arith.addf %add3A_304, %add3A_309 : vector<2x256xf32>
    %slice3A_311 = vector.extract_strided_slice %add3A_299 {offsets = [0, 1, 0], sizes = [2, 1, 256], strides = [1, 1, 1]} : vector<2x8x256xf32> to vector<2x1x256xf32>
    %squeeze3A_312 = vector.shape_cast %slice3A_311 : vector<2x1x256xf32> to vector<2x256xf32>
    %slice3A_313 = vector.extract_strided_slice %add3A_299 {offsets = [0, 5, 0], sizes = [2, 1, 256], strides = [1, 1, 1]} : vector<2x8x256xf32> to vector<2x1x256xf32>
    %squeeze3A_314 = vector.shape_cast %slice3A_313 : vector<2x1x256xf32> to vector<2x256xf32>
    %add3A_315 = arith.addf %squeeze3A_312, %squeeze3A_314 : vector<2x256xf32>
    %slice3A_316 = vector.extract_strided_slice %add3A_299 {offsets = [0, 3, 0], sizes = [2, 1, 256], strides = [1, 1, 1]} : vector<2x8x256xf32> to vector<2x1x256xf32>
    %squeeze3A_317 = vector.shape_cast %slice3A_316 : vector<2x1x256xf32> to vector<2x256xf32>
    %slice3A_318 = vector.extract_strided_slice %add3A_299 {offsets = [0, 7, 0], sizes = [2, 1, 256], strides = [1, 1, 1]} : vector<2x8x256xf32> to vector<2x1x256xf32>
    %squeeze3A_319 = vector.shape_cast %slice3A_318 : vector<2x1x256xf32> to vector<2x256xf32>
    %add3A_320 = arith.addf %squeeze3A_317, %squeeze3A_319 : vector<2x256xf32>
    %add3A_321 = arith.addf %add3A_315, %add3A_320 : vector<2x256xf32>
    %add3A_322 = arith.addf %add3A_310, %add3A_321 : vector<2x256xf32>
    %slice3A_323 = vector.extract_strided_slice %add3A_322 {offsets = [0, 0], sizes = [1, 256], strides = [1, 1]} : vector<2x256xf32> to vector<1x256xf32>
    %slice3A_324 = vector.extract_strided_slice %add3A_322 {offsets = [1, 0], sizes = [1, 256], strides = [1, 1]} : vector<2x256xf32> to vector<1x256xf32>
    %add3A_325 = arith.addf %slice3A_323, %slice3A_324 : vector<1x256xf32>
    %get3A_326 = arith.constant 4 : index
    %get3A_327 = arith.constant 0 : index
    %get3A_328 = arith.constant 0 : index
    %get3A_329 = vector.load %arg4[%get3A_326, %get3A_327, %get3A_328] : memref<7x256x256xf32, #tpu.memory_space<vmem>>, vector<1x256x256xf32>
    %get3A_330 = vector.shape_cast %get3A_329 : vector<1x256x256xf32> to vector<256x256xf32>
    %transpose3A_331 = tpu.transpose %get3A_330, [1, 0] : vector<256x256xf32> -> vector<256x256xf32>
    %sub3A_332 = arith.subf %transpose3A, %transpose3A_331 : vector<256x256xf32>
    %mul3A_333 = arith.mulf %sub3A_332, %sub3A_332 : vector<256x256xf32>
    %reshape3A_334 = vector.shape_cast %mul3A_333 : vector<256x256xf32> to vector<2x16x8x256xf32>
    %slice3A_335 = vector.extract_strided_slice %reshape3A_334 {offsets = [0, 0, 0, 0], sizes = [2, 1, 8, 256], strides = [1, 1, 1, 1]} : vector<2x16x8x256xf32> to vector<2x1x8x256xf32>
    %squeeze3A_336 = vector.shape_cast %slice3A_335 : vector<2x1x8x256xf32> to vector<2x8x256xf32>
    %slice3A_337 = vector.extract_strided_slice %reshape3A_334 {offsets = [0, 1, 0, 0], sizes = [2, 1, 8, 256], strides = [1, 1, 1, 1]} : vector<2x16x8x256xf32> to vector<2x1x8x256xf32>
    %squeeze3A_338 = vector.shape_cast %slice3A_337 : vector<2x1x8x256xf32> to vector<2x8x256xf32>
    %add3A_339 = arith.addf %squeeze3A_336, %squeeze3A_338 : vector<2x8x256xf32>
    %slice3A_340 = vector.extract_strided_slice %reshape3A_334 {offsets = [0, 2, 0, 0], sizes = [2, 1, 8, 256], strides = [1, 1, 1, 1]} : vector<2x16x8x256xf32> to vector<2x1x8x256xf32>
    %squeeze3A_341 = vector.shape_cast %slice3A_340 : vector<2x1x8x256xf32> to vector<2x8x256xf32>
    %add3A_342 = arith.addf %add3A_339, %squeeze3A_341 : vector<2x8x256xf32>
    %slice3A_343 = vector.extract_strided_slice %reshape3A_334 {offsets = [0, 3, 0, 0], sizes = [2, 1, 8, 256], strides = [1, 1, 1, 1]} : vector<2x16x8x256xf32> to vector<2x1x8x256xf32>
    %squeeze3A_344 = vector.shape_cast %slice3A_343 : vector<2x1x8x256xf32> to vector<2x8x256xf32>
    %add3A_345 = arith.addf %add3A_342, %squeeze3A_344 : vector<2x8x256xf32>
    %slice3A_346 = vector.extract_strided_slice %reshape3A_334 {offsets = [0, 4, 0, 0], sizes = [2, 1, 8, 256], strides = [1, 1, 1, 1]} : vector<2x16x8x256xf32> to vector<2x1x8x256xf32>
    %squeeze3A_347 = vector.shape_cast %slice3A_346 : vector<2x1x8x256xf32> to vector<2x8x256xf32>
    %add3A_348 = arith.addf %add3A_345, %squeeze3A_347 : vector<2x8x256xf32>
    %slice3A_349 = vector.extract_strided_slice %reshape3A_334 {offsets = [0, 5, 0, 0], sizes = [2, 1, 8, 256], strides = [1, 1, 1, 1]} : vector<2x16x8x256xf32> to vector<2x1x8x256xf32>
    %squeeze3A_350 = vector.shape_cast %slice3A_349 : vector<2x1x8x256xf32> to vector<2x8x256xf32>
    %add3A_351 = arith.addf %add3A_348, %squeeze3A_350 : vector<2x8x256xf32>
    %slice3A_352 = vector.extract_strided_slice %reshape3A_334 {offsets = [0, 6, 0, 0], sizes = [2, 1, 8, 256], strides = [1, 1, 1, 1]} : vector<2x16x8x256xf32> to vector<2x1x8x256xf32>
    %squeeze3A_353 = vector.shape_cast %slice3A_352 : vector<2x1x8x256xf32> to vector<2x8x256xf32>
    %add3A_354 = arith.addf %add3A_351, %squeeze3A_353 : vector<2x8x256xf32>
    %slice3A_355 = vector.extract_strided_slice %reshape3A_334 {offsets = [0, 7, 0, 0], sizes = [2, 1, 8, 256], strides = [1, 1, 1, 1]} : vector<2x16x8x256xf32> to vector<2x1x8x256xf32>
    %squeeze3A_356 = vector.shape_cast %slice3A_355 : vector<2x1x8x256xf32> to vector<2x8x256xf32>
    %add3A_357 = arith.addf %add3A_354, %squeeze3A_356 : vector<2x8x256xf32>
    %slice3A_358 = vector.extract_strided_slice %reshape3A_334 {offsets = [0, 8, 0, 0], sizes = [2, 1, 8, 256], strides = [1, 1, 1, 1]} : vector<2x16x8x256xf32> to vector<2x1x8x256xf32>
    %squeeze3A_359 = vector.shape_cast %slice3A_358 : vector<2x1x8x256xf32> to vector<2x8x256xf32>
    %add3A_360 = arith.addf %add3A_357, %squeeze3A_359 : vector<2x8x256xf32>
    %slice3A_361 = vector.extract_strided_slice %reshape3A_334 {offsets = [0, 9, 0, 0], sizes = [2, 1, 8, 256], strides = [1, 1, 1, 1]} : vector<2x16x8x256xf32> to vector<2x1x8x256xf32>
    %squeeze3A_362 = vector.shape_cast %slice3A_361 : vector<2x1x8x256xf32> to vector<2x8x256xf32>
    %add3A_363 = arith.addf %add3A_360, %squeeze3A_362 : vector<2x8x256xf32>
    %slice3A_364 = vector.extract_strided_slice %reshape3A_334 {offsets = [0, 10, 0, 0], sizes = [2, 1, 8, 256], strides = [1, 1, 1, 1]} : vector<2x16x8x256xf32> to vector<2x1x8x256xf32>
    %squeeze3A_365 = vector.shape_cast %slice3A_364 : vector<2x1x8x256xf32> to vector<2x8x256xf32>
    %add3A_366 = arith.addf %add3A_363, %squeeze3A_365 : vector<2x8x256xf32>
    %slice3A_367 = vector.extract_strided_slice %reshape3A_334 {offsets = [0, 11, 0, 0], sizes = [2, 1, 8, 256], strides = [1, 1, 1, 1]} : vector<2x16x8x256xf32> to vector<2x1x8x256xf32>
    %squeeze3A_368 = vector.shape_cast %slice3A_367 : vector<2x1x8x256xf32> to vector<2x8x256xf32>
    %add3A_369 = arith.addf %add3A_366, %squeeze3A_368 : vector<2x8x256xf32>
    %slice3A_370 = vector.extract_strided_slice %reshape3A_334 {offsets = [0, 12, 0, 0], sizes = [2, 1, 8, 256], strides = [1, 1, 1, 1]} : vector<2x16x8x256xf32> to vector<2x1x8x256xf32>
    %squeeze3A_371 = vector.shape_cast %slice3A_370 : vector<2x1x8x256xf32> to vector<2x8x256xf32>
    %add3A_372 = arith.addf %add3A_369, %squeeze3A_371 : vector<2x8x256xf32>
    %slice3A_373 = vector.extract_strided_slice %reshape3A_334 {offsets = [0, 13, 0, 0], sizes = [2, 1, 8, 256], strides = [1, 1, 1, 1]} : vector<2x16x8x256xf32> to vector<2x1x8x256xf32>
    %squeeze3A_374 = vector.shape_cast %slice3A_373 : vector<2x1x8x256xf32> to vector<2x8x256xf32>
    %add3A_375 = arith.addf %add3A_372, %squeeze3A_374 : vector<2x8x256xf32>
    %slice3A_376 = vector.extract_strided_slice %reshape3A_334 {offsets = [0, 14, 0, 0], sizes = [2, 1, 8, 256], strides = [1, 1, 1, 1]} : vector<2x16x8x256xf32> to vector<2x1x8x256xf32>
    %squeeze3A_377 = vector.shape_cast %slice3A_376 : vector<2x1x8x256xf32> to vector<2x8x256xf32>
    %add3A_378 = arith.addf %add3A_375, %squeeze3A_377 : vector<2x8x256xf32>
    %slice3A_379 = vector.extract_strided_slice %reshape3A_334 {offsets = [0, 15, 0, 0], sizes = [2, 1, 8, 256], strides = [1, 1, 1, 1]} : vector<2x16x8x256xf32> to vector<2x1x8x256xf32>
    %squeeze3A_380 = vector.shape_cast %slice3A_379 : vector<2x1x8x256xf32> to vector<2x8x256xf32>
    %add3A_381 = arith.addf %add3A_378, %squeeze3A_380 : vector<2x8x256xf32>
    %slice3A_382 = vector.extract_strided_slice %add3A_381 {offsets = [0, 0, 0], sizes = [2, 1, 256], strides = [1, 1, 1]} : vector<2x8x256xf32> to vector<2x1x256xf32>
    %squeeze3A_383 = vector.shape_cast %slice3A_382 : vector<2x1x256xf32> to vector<2x256xf32>
    %slice3A_384 = vector.extract_strided_slice %add3A_381 {offsets = [0, 4, 0], sizes = [2, 1, 256], strides = [1, 1, 1]} : vector<2x8x256xf32> to vector<2x1x256xf32>
    %squeeze3A_385 = vector.shape_cast %slice3A_384 : vector<2x1x256xf32> to vector<2x256xf32>
    %add3A_386 = arith.addf %squeeze3A_383, %squeeze3A_385 : vector<2x256xf32>
    %slice3A_387 = vector.extract_strided_slice %add3A_381 {offsets = [0, 2, 0], sizes = [2, 1, 256], strides = [1, 1, 1]} : vector<2x8x256xf32> to vector<2x1x256xf32>
    %squeeze3A_388 = vector.shape_cast %slice3A_387 : vector<2x1x256xf32> to vector<2x256xf32>
    %slice3A_389 = vector.extract_strided_slice %add3A_381 {offsets = [0, 6, 0], sizes = [2, 1, 256], strides = [1, 1, 1]} : vector<2x8x256xf32> to vector<2x1x256xf32>
    %squeeze3A_390 = vector.shape_cast %slice3A_389 : vector<2x1x256xf32> to vector<2x256xf32>
    %add3A_391 = arith.addf %squeeze3A_388, %squeeze3A_390 : vector<2x256xf32>
    %add3A_392 = arith.addf %add3A_386, %add3A_391 : vector<2x256xf32>
    %slice3A_393 = vector.extract_strided_slice %add3A_381 {offsets = [0, 1, 0], sizes = [2, 1, 256], strides = [1, 1, 1]} : vector<2x8x256xf32> to vector<2x1x256xf32>
    %squeeze3A_394 = vector.shape_cast %slice3A_393 : vector<2x1x256xf32> to vector<2x256xf32>
    %slice3A_395 = vector.extract_strided_slice %add3A_381 {offsets = [0, 5, 0], sizes = [2, 1, 256], strides = [1, 1, 1]} : vector<2x8x256xf32> to vector<2x1x256xf32>
    %squeeze3A_396 = vector.shape_cast %slice3A_395 : vector<2x1x256xf32> to vector<2x256xf32>
    %add3A_397 = arith.addf %squeeze3A_394, %squeeze3A_396 : vector<2x256xf32>
    %slice3A_398 = vector.extract_strided_slice %add3A_381 {offsets = [0, 3, 0], sizes = [2, 1, 256], strides = [1, 1, 1]} : vector<2x8x256xf32> to vector<2x1x256xf32>
    %squeeze3A_399 = vector.shape_cast %slice3A_398 : vector<2x1x256xf32> to vector<2x256xf32>
    %slice3A_400 = vector.extract_strided_slice %add3A_381 {offsets = [0, 7, 0], sizes = [2, 1, 256], strides = [1, 1, 1]} : vector<2x8x256xf32> to vector<2x1x256xf32>
    %squeeze3A_401 = vector.shape_cast %slice3A_400 : vector<2x1x256xf32> to vector<2x256xf32>
    %add3A_402 = arith.addf %squeeze3A_399, %squeeze3A_401 : vector<2x256xf32>
    %add3A_403 = arith.addf %add3A_397, %add3A_402 : vector<2x256xf32>
    %add3A_404 = arith.addf %add3A_392, %add3A_403 : vector<2x256xf32>
    %slice3A_405 = vector.extract_strided_slice %add3A_404 {offsets = [0, 0], sizes = [1, 256], strides = [1, 1]} : vector<2x256xf32> to vector<1x256xf32>
    %slice3A_406 = vector.extract_strided_slice %add3A_404 {offsets = [1, 0], sizes = [1, 256], strides = [1, 1]} : vector<2x256xf32> to vector<1x256xf32>
    %add3A_407 = arith.addf %slice3A_405, %slice3A_406 : vector<1x256xf32>
    %get3A_408 = arith.constant 5 : index
    %get3A_409 = arith.constant 0 : index
    %get3A_410 = arith.constant 0 : index
    %get3A_411 = vector.load %arg4[%get3A_408, %get3A_409, %get3A_410] : memref<7x256x256xf32, #tpu.memory_space<vmem>>, vector<1x256x256xf32>
    %get3A_412 = vector.shape_cast %get3A_411 : vector<1x256x256xf32> to vector<256x256xf32>
    %transpose3A_413 = tpu.transpose %get3A_412, [1, 0] : vector<256x256xf32> -> vector<256x256xf32>
    %sub3A_414 = arith.subf %transpose3A, %transpose3A_413 : vector<256x256xf32>
    %mul3A_415 = arith.mulf %sub3A_414, %sub3A_414 : vector<256x256xf32>
    %reshape3A_416 = vector.shape_cast %mul3A_415 : vector<256x256xf32> to vector<2x16x8x256xf32>
    %slice3A_417 = vector.extract_strided_slice %reshape3A_416 {offsets = [0, 0, 0, 0], sizes = [2, 1, 8, 256], strides = [1, 1, 1, 1]} : vector<2x16x8x256xf32> to vector<2x1x8x256xf32>
    %squeeze3A_418 = vector.shape_cast %slice3A_417 : vector<2x1x8x256xf32> to vector<2x8x256xf32>
    %slice3A_419 = vector.extract_strided_slice %reshape3A_416 {offsets = [0, 1, 0, 0], sizes = [2, 1, 8, 256], strides = [1, 1, 1, 1]} : vector<2x16x8x256xf32> to vector<2x1x8x256xf32>
    %squeeze3A_420 = vector.shape_cast %slice3A_419 : vector<2x1x8x256xf32> to vector<2x8x256xf32>
    %add3A_421 = arith.addf %squeeze3A_418, %squeeze3A_420 : vector<2x8x256xf32>
    %slice3A_422 = vector.extract_strided_slice %reshape3A_416 {offsets = [0, 2, 0, 0], sizes = [2, 1, 8, 256], strides = [1, 1, 1, 1]} : vector<2x16x8x256xf32> to vector<2x1x8x256xf32>
    %squeeze3A_423 = vector.shape_cast %slice3A_422 : vector<2x1x8x256xf32> to vector<2x8x256xf32>
    %add3A_424 = arith.addf %add3A_421, %squeeze3A_423 : vector<2x8x256xf32>
    %slice3A_425 = vector.extract_strided_slice %reshape3A_416 {offsets = [0, 3, 0, 0], sizes = [2, 1, 8, 256], strides = [1, 1, 1, 1]} : vector<2x16x8x256xf32> to vector<2x1x8x256xf32>
    %squeeze3A_426 = vector.shape_cast %slice3A_425 : vector<2x1x8x256xf32> to vector<2x8x256xf32>
    %add3A_427 = arith.addf %add3A_424, %squeeze3A_426 : vector<2x8x256xf32>
    %slice3A_428 = vector.extract_strided_slice %reshape3A_416 {offsets = [0, 4, 0, 0], sizes = [2, 1, 8, 256], strides = [1, 1, 1, 1]} : vector<2x16x8x256xf32> to vector<2x1x8x256xf32>
    %squeeze3A_429 = vector.shape_cast %slice3A_428 : vector<2x1x8x256xf32> to vector<2x8x256xf32>
    %add3A_430 = arith.addf %add3A_427, %squeeze3A_429 : vector<2x8x256xf32>
    %slice3A_431 = vector.extract_strided_slice %reshape3A_416 {offsets = [0, 5, 0, 0], sizes = [2, 1, 8, 256], strides = [1, 1, 1, 1]} : vector<2x16x8x256xf32> to vector<2x1x8x256xf32>
    %squeeze3A_432 = vector.shape_cast %slice3A_431 : vector<2x1x8x256xf32> to vector<2x8x256xf32>
    %add3A_433 = arith.addf %add3A_430, %squeeze3A_432 : vector<2x8x256xf32>
    %slice3A_434 = vector.extract_strided_slice %reshape3A_416 {offsets = [0, 6, 0, 0], sizes = [2, 1, 8, 256], strides = [1, 1, 1, 1]} : vector<2x16x8x256xf32> to vector<2x1x8x256xf32>
    %squeeze3A_435 = vector.shape_cast %slice3A_434 : vector<2x1x8x256xf32> to vector<2x8x256xf32>
    %add3A_436 = arith.addf %add3A_433, %squeeze3A_435 : vector<2x8x256xf32>
    %slice3A_437 = vector.extract_strided_slice %reshape3A_416 {offsets = [0, 7, 0, 0], sizes = [2, 1, 8, 256], strides = [1, 1, 1, 1]} : vector<2x16x8x256xf32> to vector<2x1x8x256xf32>
    %squeeze3A_438 = vector.shape_cast %slice3A_437 : vector<2x1x8x256xf32> to vector<2x8x256xf32>
    %add3A_439 = arith.addf %add3A_436, %squeeze3A_438 : vector<2x8x256xf32>
    %slice3A_440 = vector.extract_strided_slice %reshape3A_416 {offsets = [0, 8, 0, 0], sizes = [2, 1, 8, 256], strides = [1, 1, 1, 1]} : vector<2x16x8x256xf32> to vector<2x1x8x256xf32>
    %squeeze3A_441 = vector.shape_cast %slice3A_440 : vector<2x1x8x256xf32> to vector<2x8x256xf32>
    %add3A_442 = arith.addf %add3A_439, %squeeze3A_441 : vector<2x8x256xf32>
    %slice3A_443 = vector.extract_strided_slice %reshape3A_416 {offsets = [0, 9, 0, 0], sizes = [2, 1, 8, 256], strides = [1, 1, 1, 1]} : vector<2x16x8x256xf32> to vector<2x1x8x256xf32>
    %squeeze3A_444 = vector.shape_cast %slice3A_443 : vector<2x1x8x256xf32> to vector<2x8x256xf32>
    %add3A_445 = arith.addf %add3A_442, %squeeze3A_444 : vector<2x8x256xf32>
    %slice3A_446 = vector.extract_strided_slice %reshape3A_416 {offsets = [0, 10, 0, 0], sizes = [2, 1, 8, 256], strides = [1, 1, 1, 1]} : vector<2x16x8x256xf32> to vector<2x1x8x256xf32>
    %squeeze3A_447 = vector.shape_cast %slice3A_446 : vector<2x1x8x256xf32> to vector<2x8x256xf32>
    %add3A_448 = arith.addf %add3A_445, %squeeze3A_447 : vector<2x8x256xf32>
    %slice3A_449 = vector.extract_strided_slice %reshape3A_416 {offsets = [0, 11, 0, 0], sizes = [2, 1, 8, 256], strides = [1, 1, 1, 1]} : vector<2x16x8x256xf32> to vector<2x1x8x256xf32>
    %squeeze3A_450 = vector.shape_cast %slice3A_449 : vector<2x1x8x256xf32> to vector<2x8x256xf32>
    %add3A_451 = arith.addf %add3A_448, %squeeze3A_450 : vector<2x8x256xf32>
    %slice3A_452 = vector.extract_strided_slice %reshape3A_416 {offsets = [0, 12, 0, 0], sizes = [2, 1, 8, 256], strides = [1, 1, 1, 1]} : vector<2x16x8x256xf32> to vector<2x1x8x256xf32>
    %squeeze3A_453 = vector.shape_cast %slice3A_452 : vector<2x1x8x256xf32> to vector<2x8x256xf32>
    %add3A_454 = arith.addf %add3A_451, %squeeze3A_453 : vector<2x8x256xf32>
    %slice3A_455 = vector.extract_strided_slice %reshape3A_416 {offsets = [0, 13, 0, 0], sizes = [2, 1, 8, 256], strides = [1, 1, 1, 1]} : vector<2x16x8x256xf32> to vector<2x1x8x256xf32>
    %squeeze3A_456 = vector.shape_cast %slice3A_455 : vector<2x1x8x256xf32> to vector<2x8x256xf32>
    %add3A_457 = arith.addf %add3A_454, %squeeze3A_456 : vector<2x8x256xf32>
    %slice3A_458 = vector.extract_strided_slice %reshape3A_416 {offsets = [0, 14, 0, 0], sizes = [2, 1, 8, 256], strides = [1, 1, 1, 1]} : vector<2x16x8x256xf32> to vector<2x1x8x256xf32>
    %squeeze3A_459 = vector.shape_cast %slice3A_458 : vector<2x1x8x256xf32> to vector<2x8x256xf32>
    %add3A_460 = arith.addf %add3A_457, %squeeze3A_459 : vector<2x8x256xf32>
    %slice3A_461 = vector.extract_strided_slice %reshape3A_416 {offsets = [0, 15, 0, 0], sizes = [2, 1, 8, 256], strides = [1, 1, 1, 1]} : vector<2x16x8x256xf32> to vector<2x1x8x256xf32>
    %squeeze3A_462 = vector.shape_cast %slice3A_461 : vector<2x1x8x256xf32> to vector<2x8x256xf32>
    %add3A_463 = arith.addf %add3A_460, %squeeze3A_462 : vector<2x8x256xf32>
    %slice3A_464 = vector.extract_strided_slice %add3A_463 {offsets = [0, 0, 0], sizes = [2, 1, 256], strides = [1, 1, 1]} : vector<2x8x256xf32> to vector<2x1x256xf32>
    %squeeze3A_465 = vector.shape_cast %slice3A_464 : vector<2x1x256xf32> to vector<2x256xf32>
    %slice3A_466 = vector.extract_strided_slice %add3A_463 {offsets = [0, 4, 0], sizes = [2, 1, 256], strides = [1, 1, 1]} : vector<2x8x256xf32> to vector<2x1x256xf32>
    %squeeze3A_467 = vector.shape_cast %slice3A_466 : vector<2x1x256xf32> to vector<2x256xf32>
    %add3A_468 = arith.addf %squeeze3A_465, %squeeze3A_467 : vector<2x256xf32>
    %slice3A_469 = vector.extract_strided_slice %add3A_463 {offsets = [0, 2, 0], sizes = [2, 1, 256], strides = [1, 1, 1]} : vector<2x8x256xf32> to vector<2x1x256xf32>
    %squeeze3A_470 = vector.shape_cast %slice3A_469 : vector<2x1x256xf32> to vector<2x256xf32>
    %slice3A_471 = vector.extract_strided_slice %add3A_463 {offsets = [0, 6, 0], sizes = [2, 1, 256], strides = [1, 1, 1]} : vector<2x8x256xf32> to vector<2x1x256xf32>
    %squeeze3A_472 = vector.shape_cast %slice3A_471 : vector<2x1x256xf32> to vector<2x256xf32>
    %add3A_473 = arith.addf %squeeze3A_470, %squeeze3A_472 : vector<2x256xf32>
    %add3A_474 = arith.addf %add3A_468, %add3A_473 : vector<2x256xf32>
    %slice3A_475 = vector.extract_strided_slice %add3A_463 {offsets = [0, 1, 0], sizes = [2, 1, 256], strides = [1, 1, 1]} : vector<2x8x256xf32> to vector<2x1x256xf32>
    %squeeze3A_476 = vector.shape_cast %slice3A_475 : vector<2x1x256xf32> to vector<2x256xf32>
    %slice3A_477 = vector.extract_strided_slice %add3A_463 {offsets = [0, 5, 0], sizes = [2, 1, 256], strides = [1, 1, 1]} : vector<2x8x256xf32> to vector<2x1x256xf32>
    %squeeze3A_478 = vector.shape_cast %slice3A_477 : vector<2x1x256xf32> to vector<2x256xf32>
    %add3A_479 = arith.addf %squeeze3A_476, %squeeze3A_478 : vector<2x256xf32>
    %slice3A_480 = vector.extract_strided_slice %add3A_463 {offsets = [0, 3, 0], sizes = [2, 1, 256], strides = [1, 1, 1]} : vector<2x8x256xf32> to vector<2x1x256xf32>
    %squeeze3A_481 = vector.shape_cast %slice3A_480 : vector<2x1x256xf32> to vector<2x256xf32>
    %slice3A_482 = vector.extract_strided_slice %add3A_463 {offsets = [0, 7, 0], sizes = [2, 1, 256], strides = [1, 1, 1]} : vector<2x8x256xf32> to vector<2x1x256xf32>
    %squeeze3A_483 = vector.shape_cast %slice3A_482 : vector<2x1x256xf32> to vector<2x256xf32>
    %add3A_484 = arith.addf %squeeze3A_481, %squeeze3A_483 : vector<2x256xf32>
    %add3A_485 = arith.addf %add3A_479, %add3A_484 : vector<2x256xf32>
    %add3A_486 = arith.addf %add3A_474, %add3A_485 : vector<2x256xf32>
    %slice3A_487 = vector.extract_strided_slice %add3A_486 {offsets = [0, 0], sizes = [1, 256], strides = [1, 1]} : vector<2x256xf32> to vector<1x256xf32>
    %slice3A_488 = vector.extract_strided_slice %add3A_486 {offsets = [1, 0], sizes = [1, 256], strides = [1, 1]} : vector<2x256xf32> to vector<1x256xf32>
    %add3A_489 = arith.addf %slice3A_487, %slice3A_488 : vector<1x256xf32>
    %concatenate3A = tpu.concatenate %add3A_79, %add3A_161, %add3A_243, %add3A_325, %add3A_407, %add3A_489 in 0 : vector<1x256xf32>, vector<1x256xf32>, vector<1x256xf32>, vector<1x256xf32>, vector<1x256xf32>, vector<1x256xf32> -> vector<6x256xf32>
    %rsqrt3A = math.rsqrt %concatenate3A : vector<6x256xf32>
    %mul3A_490 = arith.mulf %concatenate3A, %rsqrt3A : vector<6x256xf32>
    %get3A_491 = arith.constant 0 : index
    %get3A_492 = arith.constant 0 : index
    %get3A_493 = vector.load %arg5[%get3A_491, %get3A_492] : memref<7x256xi32, #tpu.memory_space<vmem>>, vector<6x256xi32>
    %reduce_min3A = arith.constant dense<0x7F800000> : vector<256xf32>
    %reduce_min3A_494 = vector.multi_reduction <minimumf>, %mul3A_490, %reduce_min3A [0] : vector<6x256xf32> to vector<256xf32>
    %broadcast_in_dim3A = vector.shape_cast %reduce_min3A_494 : vector<256xf32> to vector<1x256xf32>
    %eq3A_495 = vector.broadcast %broadcast_in_dim3A : vector<1x256xf32> to vector<6x256xf32>
    %eq3A_496 = arith.cmpf oeq, %mul3A_490, %eq3A_495 : vector<6x256xf32>
    %jit3A = arith.constant 1073741824 : i32
    %broadcast_in_dim3A_497 = vector.broadcast %jit3A : i32 to vector<6x256xi32>
    %select_n3A = arith.select %eq3A_496, %get3A_493, %broadcast_in_dim3A_497 : vector<6x256xi1>, vector<6x256xi32>
    %reduce_min3A_498 = arith.constant dense<2147483647> : vector<256xi32>
    %reduce_min3A_499 = vector.multi_reduction <minsi>, %select_n3A, %reduce_min3A_498 [0] : vector<6x256xi32> to vector<256xi32>
    %broadcast_in_dim3A_500 = vector.shape_cast %reduce_min3A_499 : vector<256xi32> to vector<1x256xi32>
    %reduce_min3A_501 = arith.constant dense<0x7F800000> : vector<256xf32>
    %reduce_min3A_502 = vector.multi_reduction <minimumf>, %concatenate3A, %reduce_min3A_501 [0] : vector<6x256xf32> to vector<256xf32>
    %broadcast_in_dim3A_503 = vector.shape_cast %reduce_min3A_502 : vector<256xf32> to vector<1x256xf32>
    %get3A_504 = arith.constant 0 : index
    %get3A_505 = arith.constant 0 : index
    %get3A_506 = arith.constant 0 : index
    %get3A_507 = vector.load %arg1[%get3A_504, %get3A_505, %get3A_506] : memref<1x1x256xi32, #tpu.memory_space<vmem>>, vector<1x1x256xi32>
    %get3A_508 = vector.shape_cast %get3A_507 : vector<1x1x256xi32> to vector<1x256xi32>
    %ne3A = arith.cmpi ne, %broadcast_in_dim3A_500, %get3A_508 : vector<1x256xi32>
    %convert_element_type3A_509 = arith.extui %ne3A : vector<1x256xi1> to vector<1x256xi32>
    %convert_element_type3A_510 = arith.sitofp %convert_element_type3A_509 : vector<1x256xi32> to vector<1x256xf32>
    %swap3A = arith.constant 0 : index
    %swap3A_511 = arith.constant 0 : index
    %swap3A_512 = arith.constant 0 : index
    %swap3A_513 = vector.load %arg6[%swap3A, %swap3A_511, %swap3A_512] : memref<1x1x256xi32, #tpu.memory_space<vmem>>, vector<1x1x256xi32>
    %swap3A_514 = vector.shape_cast %swap3A_513 : vector<1x1x256xi32> to vector<1x256xi32>
    %swap3A_515 = vector.shape_cast %broadcast_in_dim3A_500 : vector<1x256xi32> to vector<1x1x256xi32>
    tpu.vector_store %arg6[%swap3A, %swap3A_511, %swap3A_512], %swap3A_515 {strides = array<i32>} : memref<1x1x256xi32, #tpu.memory_space<vmem>>, vector<1x1x256xi32>,
    %get3A_516 = arith.constant 6 : index
    %get3A_517 = arith.constant 0 : index
    %get3A_518 = arith.constant 0 : index
    %get3A_519 = vector.load %arg4[%get3A_516, %get3A_517, %get3A_518] : memref<7x256x256xf32, #tpu.memory_space<vmem>>, vector<1x256x256xf32>
    %get3A_520 = vector.shape_cast %get3A_519 : vector<1x256x256xf32> to vector<256x256xf32>
    %sub3A_521 = arith.subf %get3A_520, %get3A_3 : vector<256x256xf32>
    %add3A_522 = arith.addf %get3A_3, %sub3A_521 : vector<256x256xf32>
    %swap3A_523 = arith.constant 0 : index
    %swap3A_524 = arith.constant 0 : index
    %swap3A_525 = vector.load %arg7[%swap3A_523, %swap3A_524] : memref<256x256xf32, #tpu.memory_space<vmem>>, vector<256x256xf32>
    tpu.vector_store %arg7[%swap3A_523, %swap3A_524], %add3A_522 {strides = array<i32>} : memref<256x256xf32, #tpu.memory_space<vmem>>, vector<256x256xf32>,
    %get3A_526 = arith.constant 0 : index
    %get3A_527 = memref.load %arg11[%get3A_526] : memref<2xf32, #tpu.memory_space<smem>>
    %mul3A_528 = arith.mulf %sub3A_521, %sub3A_521 : vector<256x256xf32>
    %reduce_sum3A = vector.shape_cast %mul3A_528 : vector<256x256xf32> to vector<1x256x256xf32>
    %reduce_sum3A_529 = arith.constant dense<0.000000e+00> : vector<1xf32>
    %reduce_sum3A_530 = vector.multi_reduction <add>, %reduce_sum3A, %reduce_sum3A_529 [1, 2] : vector<1x256x256xf32> to vector<1xf32>
    %reduce_sum3A_531 = vector.shape_cast %reduce_sum3A_530 : vector<1xf32> to vector<1x1x1xf32>
    %reduce_sum3A_532 = vector.extract %reduce_sum3A_531[0, 0, 0] : f32 from vector<1x1x1xf32>
    %add3A_533 = arith.addf %get3A_527, %reduce_sum3A_532 : f32
    %swap3A_534 = arith.constant 0 : index
    %swap3A_535 = memref.load %arg11[%swap3A_534] : memref<2xf32, #tpu.memory_space<smem>>
    memref.store %add3A_533, %arg11[%swap3A_534] : memref<2xf32, #tpu.memory_space<smem>>
    %get3A_536 = arith.constant 1 : index
    %get3A_537 = memref.load %arg11[%get3A_536] : memref<2xf32, #tpu.memory_space<smem>>
    %mul3A_538 = arith.mulf %convert_element_type3A_510, %broadcast_in_dim3A_503 : vector<1x256xf32>
    %reduce_sum3A_539 = vector.shape_cast %mul3A_538 : vector<1x256xf32> to vector<1x1x256xf32>
    %reduce_sum3A_540 = arith.constant dense<0.000000e+00> : vector<1xf32>
    %reduce_sum3A_541 = vector.multi_reduction <add>, %reduce_sum3A_539, %reduce_sum3A_540 [1, 2] : vector<1x1x256xf32> to vector<1xf32>
    %reduce_sum3A_542 = vector.shape_cast %reduce_sum3A_541 : vector<1xf32> to vector<1x1x1xf32>
    %reduce_sum3A_543 = vector.extract %reduce_sum3A_542[0, 0, 0] : f32 from vector<1x1x1xf32>
    %add3A_544 = arith.addf %get3A_537, %reduce_sum3A_543 : f32
    %swap3A_545 = arith.constant 1 : index
    %swap3A_546 = memref.load %arg11[%swap3A_545] : memref<2xf32, #tpu.memory_space<smem>>
    memref.store %add3A_544, %arg11[%swap3A_545] : memref<2xf32, #tpu.memory_space<smem>>
    %iota3A = tpu.iota {dimensions = array<i32: 1>} : vector<1x1024xi32>
    %get3A_547 = arith.constant 0 : index
    %get3A_548 = arith.constant 0 : index
    %get3A_549 = vector.load %arg2[%get3A_547, %get3A_548] : memref<256x1xi32, #tpu.memory_space<vmem>>, vector<256x1xi32>
    %eq3A_550 = vector.broadcast %get3A_549 : vector<256x1xi32> to vector<256x1024xi32>
    %eq3A_551 = vector.broadcast %iota3A : vector<1x1024xi32> to vector<256x1024xi32>
    %eq3A_552 = arith.cmpi eq, %eq3A_550, %eq3A_551 : vector<256x1024xi32>
    %convert_element_type3A_553 = arith.extui %eq3A_552 : vector<256x1024xi1> to vector<256x1024xi32>
    %convert_element_type3A_554 = arith.sitofp %convert_element_type3A_553 : vector<256x1024xi32> to vector<256x1024xf32>
    %get3A_555 = arith.constant 0 : index
    %get3A_556 = arith.constant 0 : index
    %get3A_557 = vector.load %arg10[%get3A_555, %get3A_556] : memref<1x1024xf32, #tpu.memory_space<vmem>>, vector<1x1024xf32>
    %reduce_sum3A_558 = arith.constant dense<0.000000e+00> : vector<1024xf32>
    %reduce_sum3A_559 = vector.multi_reduction <add>, %convert_element_type3A_554, %reduce_sum3A_558 [0] : vector<256x1024xf32> to vector<1024xf32>
    %broadcast_in_dim3A_560 = vector.shape_cast %reduce_sum3A_559 : vector<1024xf32> to vector<1x1024xf32>
    %add3A_561 = arith.addf %get3A_557, %broadcast_in_dim3A_560 : vector<1x1024xf32>
    %swap3A_562 = arith.constant 0 : index
    %swap3A_563 = arith.constant 0 : index
    %swap3A_564 = vector.load %arg10[%swap3A_562, %swap3A_563] : memref<1x1024xf32, #tpu.memory_space<vmem>>, vector<1x1024xf32>
    tpu.vector_store %arg10[%swap3A_562, %swap3A_563], %add3A_561 {strides = array<i32>} : memref<1x1024xf32, #tpu.memory_space<vmem>>, vector<1x1024xf32>,
    %eq3A_565 = arith.constant 3 : i32
    %eq3A_566 = arith.cmpi eq, %arg0, %eq3A_565 : i32
    %convert_element_type3A_567 = arith.extui %eq3A_566 : i1 to i32
    %cond3A_568 = arith.constant 0 : i32
    %cond3A_569 = arith.cmpi ne, %convert_element_type3A_567, %cond3A_568 : i32
    scf.if %cond3A_569 {
      %get3A_570 = arith.constant 0 : index
      %get3A_571 = memref.load %arg11[%get3A_570] : memref<2xf32, #tpu.memory_space<smem>>
      %mul3A_572 = arith.constant 1.250000e+00 : f32
      %mul3A_573 = arith.mulf %mul3A_572, %get3A_571 : f32
      %mul3A_574 = arith.constant 3.81469727E-6 : f32
      %mul3A_575 = arith.mulf %mul3A_573, %mul3A_574 : f32
      %get3A_576 = arith.constant 1 : index
      %get3A_577 = memref.load %arg11[%get3A_576] : memref<2xf32, #tpu.memory_space<smem>>
      %mul3A_578 = arith.constant 1.100000e+00 : f32
      %mul3A_579 = arith.mulf %mul3A_578, %get3A_577 : f32
      %mul3A_580 = arith.constant 3.81469727E-6 : f32
      %mul3A_581 = arith.mulf %mul3A_579, %mul3A_580 : f32
      %sub3A_582 = arith.subf %mul3A_575, %mul3A_581 : f32
      %reshape3A_583 = vector.broadcast %sub3A_582 : f32 to vector<1x1xf32>
      %swap3A_584 = arith.constant 0 : index
      %swap3A_585 = arith.constant 0 : index
      %swap3A_586 = vector.load %arg8[%swap3A_584, %swap3A_585] : memref<1x1xf32, #tpu.memory_space<vmem>>, vector<1x1xf32>
      tpu.vector_store %arg8[%swap3A_584, %swap3A_585], %reshape3A_583 {strides = array<i32>} : memref<1x1xf32, #tpu.memory_space<vmem>>, vector<1x1xf32>,
      %get3A_587 = arith.constant 0 : index
      %get3A_588 = arith.constant 0 : index
      %get3A_589 = vector.load %arg10[%get3A_587, %get3A_588] : memref<1x1024xf32, #tpu.memory_space<vmem>>, vector<1x1024xf32>
      %mul3A_590 = arith.constant 9.765625E-4 : f32
      %mul3A_591 = vector.broadcast %mul3A_590 : f32 to vector<1x1024xf32>
      %mul3A_592 = arith.mulf %get3A_589, %mul3A_591 : vector<1x1024xf32>
      %add3A_593 = arith.constant 1.000000e-10 : f32
      %add3A_594 = vector.broadcast %add3A_593 : f32 to vector<1x1024xf32>
      %add3A_595 = arith.addf %mul3A_592, %add3A_594 : vector<1x1024xf32>
      %log3A = math.log %add3A_595 : vector<1x1024xf32>
      %mul3A_596 = arith.mulf %mul3A_592, %log3A : vector<1x1024xf32>
      %reduce_sum3A_597 = vector.shape_cast %mul3A_596 : vector<1x1024xf32> to vector<1x1x1024xf32>
      %reduce_sum3A_598 = arith.constant dense<0.000000e+00> : vector<1xf32>
      %reduce_sum3A_599 = vector.multi_reduction <add>, %reduce_sum3A_597, %reduce_sum3A_598 [1, 2] : vector<1x1x1024xf32> to vector<1xf32>
      %reduce_sum3A_600 = vector.shape_cast %reduce_sum3A_599 : vector<1xf32> to vector<1x1x1xf32>
      %reduce_sum3A_601 = vector.extract %reduce_sum3A_600[0, 0, 0] : f32 from vector<1x1x1xf32>
      %neg3A = arith.constant 0.000000e+00 : f32
      %neg3A_602 = arith.subf %neg3A, %reduce_sum3A_601 : f32
      %exp3A = math.exp %neg3A_602 : f32
      %reshape3A_603 = vector.broadcast %exp3A : f32 to vector<1x1xf32>
      %swap3A_604 = arith.constant 0 : index
      %swap3A_605 = arith.constant 0 : index
      %swap3A_606 = vector.load %arg9[%swap3A_604, %swap3A_605] : memref<1x1xf32, #tpu.memory_space<vmem>>, vector<1x1xf32>
      tpu.vector_store %arg9[%swap3A_604, %swap3A_605], %reshape3A_603 {strides = array<i32>} : memref<1x1xf32, #tpu.memory_space<vmem>>, vector<1x1xf32>,
    } else {
    }
    return
  }
  func.func @transform_0(%arg0: i32) -> (i32, i32, i32) {
    %c0_i32 = arith.constant 0 : i32
    %c0_i32_0 = arith.constant 0 : i32
    %c0_i32_1 = arith.constant 0 : i32
    return %arg0, %c0_i32, %c0_i32_0 : i32, i32, i32
  }
  func.func @transform_1(%arg0: i32) -> (i32, i32) {
    %c0_i32 = arith.constant 0 : i32
    %c0_i32_0 = arith.constant 0 : i32
    return %arg0, %c0_i32 : i32, i32
  }
  func.func @transform_2(%arg0: i32) -> (i32, i32) {
    %c0_i32 = arith.constant 0 : i32
    %c0_i32_0 = arith.constant 0 : i32
    return %arg0, %c0_i32 : i32, i32
  }
  func.func @transform_3(%arg0: i32) -> (i32, i32, i32) {
    %c0_i32 = arith.constant 0 : i32
    %c0_i32_0 = arith.constant 0 : i32
    %c0_i32_1 = arith.constant 0 : i32
    return %c0_i32, %arg0, %c0_i32_0 : i32, i32, i32
  }
  func.func @transform_4(%arg0: i32) -> (i32, i32) {
    %c0_i32 = arith.constant 0 : i32
    %c0_i32_0 = arith.constant 0 : i32
    return %c0_i32, %arg0 : i32, i32
  }
  func.func @transform_5(%arg0: i32) -> (i32, i32, i32) {
    %c0_i32 = arith.constant 0 : i32
    %c0_i32_0 = arith.constant 0 : i32
    %c0_i32_1 = arith.constant 0 : i32
    return %arg0, %c0_i32, %c0_i32_0 : i32, i32, i32
  }
  func.func @transform_6(%arg0: i32) -> (i32, i32) {
    %c0_i32 = arith.constant 0 : i32
    %c0_i32_0 = arith.constant 0 : i32
    return %arg0, %c0_i32 : i32, i32
  }
  func.func @transform_7(%arg0: i32) -> (i32, i32) {
    %c0_i32 = arith.constant 0 : i32
    %c0_i32_0 = arith.constant 0 : i32
    %c0_i32_1 = arith.constant 0 : i32
    return %c0_i32, %c0_i32_0 : i32, i32
  }
  func.func @transform_8(%arg0: i32) -> (i32, i32) {
    %c0_i32 = arith.constant 0 : i32
    %c0_i32_0 = arith.constant 0 : i32
    %c0_i32_1 = arith.constant 0 : i32
    return %c0_i32, %c0_i32_0 : i32, i32
  }
}

module attributes {stable_mosaic.version = 14 : i64} {
  func.func @_coarse_body(%arg0: i32, %arg1: memref<1x1x256xi32, #tpu.memory_space<vmem>>, %arg2: memref<256x256xf32, #tpu.memory_space<vmem>>, %arg3: memref<1024x256xf32, #tpu.memory_space<vmem>>, %arg4: memref<7x256xi32, #tpu.memory_space<vmem>>, %arg5: memref<1024x1xf32, #tpu.memory_space<vmem>>) attributes {dimension_semantics = [#tpu.dimension_semantics<arbitrary>], iteration_bounds = array<i64: 4>, scalar_prefetch = 0 : i64, scratch_operands = 1 : i64, tpu.core_type = #tpu.core_type<tc>, window_params = [{transform_indices = @transform_0, window_bounds = array<i64: 1, 1, 256>}, {transform_indices = @transform_1, window_bounds = array<i64: 256, 256>}, {pipeline_mode = #tpu.pipeline_mode<synchronous>, transform_indices = @transform_2, window_bounds = array<i64: 1024, 256>}, {transform_indices = @transform_3, window_bounds = array<i64: 7, 256>}]} {
    %eq3A = arith.constant 0 : i32
    %eq3A_0 = arith.cmpi eq, %arg0, %eq3A : i32
    %convert_element_type3A = arith.extui %eq3A_0 : i1 to i32
    %cond3A = arith.constant 0 : i32
    %cond3A_1 = arith.cmpi ne, %convert_element_type3A, %cond3A : i32
    scf.if %cond3A_1 {
      %get3A_180 = arith.constant 0 : index
      %get3A_181 = arith.constant 0 : index
      %get3A_182 = vector.load %arg3[%get3A_180, %get3A_181] : memref<1024x256xf32, #tpu.memory_space<vmem>>, vector<1024x256xf32>
      %mul3A_183 = arith.mulf %get3A_182, %get3A_182 : vector<1024x256xf32>
      %reduce_sum3A = arith.constant dense<0.000000e+00> : vector<1024xf32>
      %reduce_sum3A_184 = vector.multi_reduction <add>, %mul3A_183, %reduce_sum3A [1] : vector<1024x256xf32> to vector<1024xf32>
      %broadcast_in_dim3A_185 = vector.shape_cast %reduce_sum3A_184 : vector<1024xf32> to vector<1024x1xf32>
      %swap3A_186 = arith.constant 0 : index
      %swap3A_187 = arith.constant 0 : index
      %swap3A_188 = vector.load %arg5[%swap3A_186, %swap3A_187] : memref<1024x1xf32, #tpu.memory_space<vmem>>, vector<1024x1xf32>
      tpu.vector_store %arg5[%swap3A_186, %swap3A_187], %broadcast_in_dim3A_185 {strides = array<i32>} : memref<1024x1xf32, #tpu.memory_space<vmem>>, vector<1024x1xf32>,
    } else {
    }
    %get3A = arith.constant 0 : index
    %get3A_2 = arith.constant 0 : index
    %get3A_3 = vector.load %arg2[%get3A, %get3A_2] : memref<256x256xf32, #tpu.memory_space<vmem>>, vector<256x256xf32>
    %transpose3A = tpu.transpose %get3A_3, [1, 0] : vector<256x256xf32> -> vector<256x256xf32>
    %get3A_4 = arith.constant 0 : index
    %get3A_5 = arith.constant 0 : index
    %get3A_6 = vector.load %arg3[%get3A_4, %get3A_5] : memref<1024x256xf32, #tpu.memory_space<vmem>>, vector<1024x256xf32>
    %dot_general3A = arith.constant dense<0.000000e+00> : vector<1024x256xf32>
    %dot_general3A_7 = tpu.matmul %get3A_6, %transpose3A, %dot_general3A {dimension_numbers = #tpu.dot_dimension_numbers<[1], [0], [0], [1], [0, 0, 1, 1], [], []>, precision = #tpu.contract_precision<fp32>, transpose_lhs_hint = false} : vector<1024x256xf32>, vector<256x256xf32>, vector<1024x256xf32> -> vector<1024x256xf32>
    %get3A_8 = arith.constant 0 : index
    %get3A_9 = arith.constant 0 : index
    %get3A_10 = vector.load %arg5[%get3A_8, %get3A_9] : memref<1024x1xf32, #tpu.memory_space<vmem>>, vector<1024x1xf32>
    %add3A = arith.addf %dot_general3A_7, %dot_general3A_7 : vector<1024x256xf32>
    %sub3A = vector.broadcast %get3A_10 : vector<1024x1xf32> to vector<1024x256xf32>
    %sub3A_11 = arith.subf %sub3A, %add3A : vector<1024x256xf32>
    %reshape3A = vector.shape_cast %sub3A_11 : vector<1024x256xf32> to vector<8x128x256xf32>
    %iota3A = tpu.iota {dimensions = array<i32: 1>} : vector<8x128x256xi32>
    %iota3A_12 = tpu.iota {dimensions = array<i32: 0>} : vector<8x1x256xi32>
    %mul3A = arith.constant 128 : i32
    %mul3A_13 = vector.broadcast %mul3A : i32 to vector<8x1x256xi32>
    %mul3A_14 = arith.muli %iota3A_12, %mul3A_13 : vector<8x1x256xi32>
    %reduce_min3A = arith.constant dense<0x7F800000> : vector<8x256xf32>
    %reduce_min3A_15 = vector.multi_reduction <minimumf>, %reshape3A, %reduce_min3A [1] : vector<8x128x256xf32> to vector<8x256xf32>
    %broadcast_in_dim3A = vector.shape_cast %reduce_min3A_15 : vector<8x256xf32> to vector<8x1x256xf32>
    %eq3A_16 = vector.broadcast %broadcast_in_dim3A : vector<8x1x256xf32> to vector<8x128x256xf32>
    %eq3A_17 = arith.cmpf oeq, %reshape3A, %eq3A_16 : vector<8x128x256xf32>
    %jit3A = arith.constant 1073741824 : i32
    %broadcast_in_dim3A_18 = vector.broadcast %jit3A : i32 to vector<8x128x256xi32>
    %select_n3A = arith.select %eq3A_17, %iota3A, %broadcast_in_dim3A_18 : vector<8x128x256xi1>, vector<8x128x256xi32>
    %reduce_min3A_19 = arith.constant dense<2147483647> : vector<8x256xi32>
    %reduce_min3A_20 = vector.multi_reduction <minsi>, %select_n3A, %reduce_min3A_19 [1] : vector<8x128x256xi32> to vector<8x256xi32>
    %broadcast_in_dim3A_21 = vector.shape_cast %reduce_min3A_20 : vector<8x256xi32> to vector<8x1x256xi32>
    %reshape3A_22 = vector.shape_cast %broadcast_in_dim3A : vector<8x1x256xf32> to vector<8x256xf32>
    %add3A_23 = arith.addi %broadcast_in_dim3A_21, %mul3A_14 : vector<8x1x256xi32>
    %reshape3A_24 = vector.shape_cast %add3A_23 : vector<8x1x256xi32> to vector<8x256xi32>
    %eq3A_25 = vector.broadcast %broadcast_in_dim3A_21 : vector<8x1x256xi32> to vector<8x128x256xi32>
    %eq3A_26 = arith.cmpi eq, %iota3A, %eq3A_25 : vector<8x128x256xi32>
    %jit3A_27 = arith.constant 3.000000e+38 : f32
    %broadcast_in_dim3A_28 = vector.broadcast %jit3A_27 : f32 to vector<8x128x256xf32>
    %select_n3A_29 = arith.select %eq3A_26, %broadcast_in_dim3A_28, %reshape3A : vector<8x128x256xi1>, vector<8x128x256xf32>
    %reduce_min3A_30 = arith.constant dense<0x7F800000> : vector<8x256xf32>
    %reduce_min3A_31 = vector.multi_reduction <minimumf>, %select_n3A_29, %reduce_min3A_30 [1] : vector<8x128x256xf32> to vector<8x256xf32>
    %broadcast_in_dim3A_32 = vector.shape_cast %reduce_min3A_31 : vector<8x256xf32> to vector<8x1x256xf32>
    %eq3A_33 = vector.broadcast %broadcast_in_dim3A_32 : vector<8x1x256xf32> to vector<8x128x256xf32>
    %eq3A_34 = arith.cmpf oeq, %select_n3A_29, %eq3A_33 : vector<8x128x256xf32>
    %jit3A_35 = arith.constant 1073741824 : i32
    %broadcast_in_dim3A_36 = vector.broadcast %jit3A_35 : i32 to vector<8x128x256xi32>
    %select_n3A_37 = arith.select %eq3A_34, %iota3A, %broadcast_in_dim3A_36 : vector<8x128x256xi1>, vector<8x128x256xi32>
    %reduce_min3A_38 = arith.constant dense<2147483647> : vector<8x256xi32>
    %reduce_min3A_39 = vector.multi_reduction <minsi>, %select_n3A_37, %reduce_min3A_38 [1] : vector<8x128x256xi32> to vector<8x256xi32>
    %broadcast_in_dim3A_40 = vector.shape_cast %reduce_min3A_39 : vector<8x256xi32> to vector<8x1x256xi32>
    %reshape3A_41 = vector.shape_cast %broadcast_in_dim3A_32 : vector<8x1x256xf32> to vector<8x256xf32>
    %add3A_42 = arith.addi %broadcast_in_dim3A_40, %mul3A_14 : vector<8x1x256xi32>
    %reshape3A_43 = vector.shape_cast %add3A_42 : vector<8x1x256xi32> to vector<8x256xi32>
    %eq3A_44 = vector.broadcast %broadcast_in_dim3A_40 : vector<8x1x256xi32> to vector<8x128x256xi32>
    %eq3A_45 = arith.cmpi eq, %iota3A, %eq3A_44 : vector<8x128x256xi32>
    %jit3A_46 = arith.constant 3.000000e+38 : f32
    %broadcast_in_dim3A_47 = vector.broadcast %jit3A_46 : f32 to vector<8x128x256xf32>
    %select_n3A_48 = arith.select %eq3A_45, %broadcast_in_dim3A_47, %select_n3A_29 : vector<8x128x256xi1>, vector<8x128x256xf32>
    %reduce_min3A_49 = arith.constant dense<0x7F800000> : vector<8x256xf32>
    %reduce_min3A_50 = vector.multi_reduction <minimumf>, %select_n3A_48, %reduce_min3A_49 [1] : vector<8x128x256xf32> to vector<8x256xf32>
    %broadcast_in_dim3A_51 = vector.shape_cast %reduce_min3A_50 : vector<8x256xf32> to vector<8x1x256xf32>
    %eq3A_52 = vector.broadcast %broadcast_in_dim3A_51 : vector<8x1x256xf32> to vector<8x128x256xf32>
    %eq3A_53 = arith.cmpf oeq, %select_n3A_48, %eq3A_52 : vector<8x128x256xf32>
    %jit3A_54 = arith.constant 1073741824 : i32
    %broadcast_in_dim3A_55 = vector.broadcast %jit3A_54 : i32 to vector<8x128x256xi32>
    %select_n3A_56 = arith.select %eq3A_53, %iota3A, %broadcast_in_dim3A_55 : vector<8x128x256xi1>, vector<8x128x256xi32>
    %reduce_min3A_57 = arith.constant dense<2147483647> : vector<8x256xi32>
    %reduce_min3A_58 = vector.multi_reduction <minsi>, %select_n3A_56, %reduce_min3A_57 [1] : vector<8x128x256xi32> to vector<8x256xi32>
    %broadcast_in_dim3A_59 = vector.shape_cast %reduce_min3A_58 : vector<8x256xi32> to vector<8x1x256xi32>
    %reshape3A_60 = vector.shape_cast %broadcast_in_dim3A_51 : vector<8x1x256xf32> to vector<8x256xf32>
    %add3A_61 = arith.addi %broadcast_in_dim3A_59, %mul3A_14 : vector<8x1x256xi32>
    %reshape3A_62 = vector.shape_cast %add3A_61 : vector<8x1x256xi32> to vector<8x256xi32>
    %concatenate3A = tpu.concatenate %reshape3A_22, %reshape3A_41, %reshape3A_60 in 0 : vector<8x256xf32>, vector<8x256xf32>, vector<8x256xf32> -> vector<24x256xf32>
    %concatenate3A_63 = tpu.concatenate %reshape3A_24, %reshape3A_43, %reshape3A_62 in 0 : vector<8x256xi32>, vector<8x256xi32>, vector<8x256xi32> -> vector<24x256xi32>
    %reduce_min3A_64 = arith.constant dense<0x7F800000> : vector<256xf32>
    %reduce_min3A_65 = vector.multi_reduction <minimumf>, %concatenate3A, %reduce_min3A_64 [0] : vector<24x256xf32> to vector<256xf32>
    %broadcast_in_dim3A_66 = vector.shape_cast %reduce_min3A_65 : vector<256xf32> to vector<1x256xf32>
    %eq3A_67 = vector.broadcast %broadcast_in_dim3A_66 : vector<1x256xf32> to vector<24x256xf32>
    %eq3A_68 = arith.cmpf oeq, %concatenate3A, %eq3A_67 : vector<24x256xf32>
    %jit3A_69 = arith.constant 1073741824 : i32
    %broadcast_in_dim3A_70 = vector.broadcast %jit3A_69 : i32 to vector<24x256xi32>
    %select_n3A_71 = arith.select %eq3A_68, %concatenate3A_63, %broadcast_in_dim3A_70 : vector<24x256xi1>, vector<24x256xi32>
    %reduce_min3A_72 = arith.constant dense<2147483647> : vector<256xi32>
    %reduce_min3A_73 = vector.multi_reduction <minsi>, %select_n3A_71, %reduce_min3A_72 [0] : vector<24x256xi32> to vector<256xi32>
    %broadcast_in_dim3A_74 = vector.shape_cast %reduce_min3A_73 : vector<256xi32> to vector<1x256xi32>
    %swap3A = arith.constant 0 : index
    %swap3A_75 = arith.constant 0 : index
    %swap3A_76 = vector.load %arg4[%swap3A, %swap3A_75] : memref<7x256xi32, #tpu.memory_space<vmem>>, vector<1x256xi32>
    tpu.vector_store %arg4[%swap3A, %swap3A_75], %broadcast_in_dim3A_74 {strides = array<i32>} : memref<7x256xi32, #tpu.memory_space<vmem>>, vector<1x256xi32>,
    %eq3A_77 = vector.broadcast %broadcast_in_dim3A_74 : vector<1x256xi32> to vector<24x256xi32>
    %eq3A_78 = arith.cmpi eq, %concatenate3A_63, %eq3A_77 : vector<24x256xi32>
    %jit3A_79 = arith.constant 3.000000e+38 : f32
    %broadcast_in_dim3A_80 = vector.broadcast %jit3A_79 : f32 to vector<24x256xf32>
    %select_n3A_81 = arith.select %eq3A_78, %broadcast_in_dim3A_80, %concatenate3A : vector<24x256xi1>, vector<24x256xf32>
    %reduce_min3A_82 = arith.constant dense<0x7F800000> : vector<256xf32>
    %reduce_min3A_83 = vector.multi_reduction <minimumf>, %select_n3A_81, %reduce_min3A_82 [0] : vector<24x256xf32> to vector<256xf32>
    %broadcast_in_dim3A_84 = vector.shape_cast %reduce_min3A_83 : vector<256xf32> to vector<1x256xf32>
    %eq3A_85 = vector.broadcast %broadcast_in_dim3A_84 : vector<1x256xf32> to vector<24x256xf32>
    %eq3A_86 = arith.cmpf oeq, %select_n3A_81, %eq3A_85 : vector<24x256xf32>
    %jit3A_87 = arith.constant 1073741824 : i32
    %broadcast_in_dim3A_88 = vector.broadcast %jit3A_87 : i32 to vector<24x256xi32>
    %select_n3A_89 = arith.select %eq3A_86, %concatenate3A_63, %broadcast_in_dim3A_88 : vector<24x256xi1>, vector<24x256xi32>
    %reduce_min3A_90 = arith.constant dense<2147483647> : vector<256xi32>
    %reduce_min3A_91 = vector.multi_reduction <minsi>, %select_n3A_89, %reduce_min3A_90 [0] : vector<24x256xi32> to vector<256xi32>
    %broadcast_in_dim3A_92 = vector.shape_cast %reduce_min3A_91 : vector<256xi32> to vector<1x256xi32>
    %swap3A_93 = arith.constant 1 : index
    %swap3A_94 = arith.constant 0 : index
    %swap3A_95 = vector.load %arg4[%swap3A_93, %swap3A_94] : memref<7x256xi32, #tpu.memory_space<vmem>>, vector<1x256xi32>
    tpu.vector_store %arg4[%swap3A_93, %swap3A_94], %broadcast_in_dim3A_92 {strides = array<i32>} : memref<7x256xi32, #tpu.memory_space<vmem>>, vector<1x256xi32>,
    %eq3A_96 = vector.broadcast %broadcast_in_dim3A_92 : vector<1x256xi32> to vector<24x256xi32>
    %eq3A_97 = arith.cmpi eq, %concatenate3A_63, %eq3A_96 : vector<24x256xi32>
    %jit3A_98 = arith.constant 3.000000e+38 : f32
    %broadcast_in_dim3A_99 = vector.broadcast %jit3A_98 : f32 to vector<24x256xf32>
    %select_n3A_100 = arith.select %eq3A_97, %broadcast_in_dim3A_99, %select_n3A_81 : vector<24x256xi1>, vector<24x256xf32>
    %reduce_min3A_101 = arith.constant dense<0x7F800000> : vector<256xf32>
    %reduce_min3A_102 = vector.multi_reduction <minimumf>, %select_n3A_100, %reduce_min3A_101 [0] : vector<24x256xf32> to vector<256xf32>
    %broadcast_in_dim3A_103 = vector.shape_cast %reduce_min3A_102 : vector<256xf32> to vector<1x256xf32>
    %eq3A_104 = vector.broadcast %broadcast_in_dim3A_103 : vector<1x256xf32> to vector<24x256xf32>
    %eq3A_105 = arith.cmpf oeq, %select_n3A_100, %eq3A_104 : vector<24x256xf32>
    %jit3A_106 = arith.constant 1073741824 : i32
    %broadcast_in_dim3A_107 = vector.broadcast %jit3A_106 : i32 to vector<24x256xi32>
    %select_n3A_108 = arith.select %eq3A_105, %concatenate3A_63, %broadcast_in_dim3A_107 : vector<24x256xi1>, vector<24x256xi32>
    %reduce_min3A_109 = arith.constant dense<2147483647> : vector<256xi32>
    %reduce_min3A_110 = vector.multi_reduction <minsi>, %select_n3A_108, %reduce_min3A_109 [0] : vector<24x256xi32> to vector<256xi32>
    %broadcast_in_dim3A_111 = vector.shape_cast %reduce_min3A_110 : vector<256xi32> to vector<1x256xi32>
    %swap3A_112 = arith.constant 2 : index
    %swap3A_113 = arith.constant 0 : index
    %swap3A_114 = vector.load %arg4[%swap3A_112, %swap3A_113] : memref<7x256xi32, #tpu.memory_space<vmem>>, vector<1x256xi32>
    tpu.vector_store %arg4[%swap3A_112, %swap3A_113], %broadcast_in_dim3A_111 {strides = array<i32>} : memref<7x256xi32, #tpu.memory_space<vmem>>, vector<1x256xi32>,
    %eq3A_115 = vector.broadcast %broadcast_in_dim3A_111 : vector<1x256xi32> to vector<24x256xi32>
    %eq3A_116 = arith.cmpi eq, %concatenate3A_63, %eq3A_115 : vector<24x256xi32>
    %jit3A_117 = arith.constant 3.000000e+38 : f32
    %broadcast_in_dim3A_118 = vector.broadcast %jit3A_117 : f32 to vector<24x256xf32>
    %select_n3A_119 = arith.select %eq3A_116, %broadcast_in_dim3A_118, %select_n3A_100 : vector<24x256xi1>, vector<24x256xf32>
    %reduce_min3A_120 = arith.constant dense<0x7F800000> : vector<256xf32>
    %reduce_min3A_121 = vector.multi_reduction <minimumf>, %select_n3A_119, %reduce_min3A_120 [0] : vector<24x256xf32> to vector<256xf32>
    %broadcast_in_dim3A_122 = vector.shape_cast %reduce_min3A_121 : vector<256xf32> to vector<1x256xf32>
    %eq3A_123 = vector.broadcast %broadcast_in_dim3A_122 : vector<1x256xf32> to vector<24x256xf32>
    %eq3A_124 = arith.cmpf oeq, %select_n3A_119, %eq3A_123 : vector<24x256xf32>
    %jit3A_125 = arith.constant 1073741824 : i32
    %broadcast_in_dim3A_126 = vector.broadcast %jit3A_125 : i32 to vector<24x256xi32>
    %select_n3A_127 = arith.select %eq3A_124, %concatenate3A_63, %broadcast_in_dim3A_126 : vector<24x256xi1>, vector<24x256xi32>
    %reduce_min3A_128 = arith.constant dense<2147483647> : vector<256xi32>
    %reduce_min3A_129 = vector.multi_reduction <minsi>, %select_n3A_127, %reduce_min3A_128 [0] : vector<24x256xi32> to vector<256xi32>
    %broadcast_in_dim3A_130 = vector.shape_cast %reduce_min3A_129 : vector<256xi32> to vector<1x256xi32>
    %swap3A_131 = arith.constant 3 : index
    %swap3A_132 = arith.constant 0 : index
    %swap3A_133 = vector.load %arg4[%swap3A_131, %swap3A_132] : memref<7x256xi32, #tpu.memory_space<vmem>>, vector<1x256xi32>
    tpu.vector_store %arg4[%swap3A_131, %swap3A_132], %broadcast_in_dim3A_130 {strides = array<i32>} : memref<7x256xi32, #tpu.memory_space<vmem>>, vector<1x256xi32>,
    %eq3A_134 = vector.broadcast %broadcast_in_dim3A_130 : vector<1x256xi32> to vector<24x256xi32>
    %eq3A_135 = arith.cmpi eq, %concatenate3A_63, %eq3A_134 : vector<24x256xi32>
    %jit3A_136 = arith.constant 3.000000e+38 : f32
    %broadcast_in_dim3A_137 = vector.broadcast %jit3A_136 : f32 to vector<24x256xf32>
    %select_n3A_138 = arith.select %eq3A_135, %broadcast_in_dim3A_137, %select_n3A_119 : vector<24x256xi1>, vector<24x256xf32>
    %reduce_min3A_139 = arith.constant dense<0x7F800000> : vector<256xf32>
    %reduce_min3A_140 = vector.multi_reduction <minimumf>, %select_n3A_138, %reduce_min3A_139 [0] : vector<24x256xf32> to vector<256xf32>
    %broadcast_in_dim3A_141 = vector.shape_cast %reduce_min3A_140 : vector<256xf32> to vector<1x256xf32>
    %eq3A_142 = vector.broadcast %broadcast_in_dim3A_141 : vector<1x256xf32> to vector<24x256xf32>
    %eq3A_143 = arith.cmpf oeq, %select_n3A_138, %eq3A_142 : vector<24x256xf32>
    %jit3A_144 = arith.constant 1073741824 : i32
    %broadcast_in_dim3A_145 = vector.broadcast %jit3A_144 : i32 to vector<24x256xi32>
    %select_n3A_146 = arith.select %eq3A_143, %concatenate3A_63, %broadcast_in_dim3A_145 : vector<24x256xi1>, vector<24x256xi32>
    %reduce_min3A_147 = arith.constant dense<2147483647> : vector<256xi32>
    %reduce_min3A_148 = vector.multi_reduction <minsi>, %select_n3A_146, %reduce_min3A_147 [0] : vector<24x256xi32> to vector<256xi32>
    %broadcast_in_dim3A_149 = vector.shape_cast %reduce_min3A_148 : vector<256xi32> to vector<1x256xi32>
    %swap3A_150 = arith.constant 4 : index
    %swap3A_151 = arith.constant 0 : index
    %swap3A_152 = vector.load %arg4[%swap3A_150, %swap3A_151] : memref<7x256xi32, #tpu.memory_space<vmem>>, vector<1x256xi32>
    tpu.vector_store %arg4[%swap3A_150, %swap3A_151], %broadcast_in_dim3A_149 {strides = array<i32>} : memref<7x256xi32, #tpu.memory_space<vmem>>, vector<1x256xi32>,
    %eq3A_153 = vector.broadcast %broadcast_in_dim3A_149 : vector<1x256xi32> to vector<24x256xi32>
    %eq3A_154 = arith.cmpi eq, %concatenate3A_63, %eq3A_153 : vector<24x256xi32>
    %jit3A_155 = arith.constant 3.000000e+38 : f32
    %broadcast_in_dim3A_156 = vector.broadcast %jit3A_155 : f32 to vector<24x256xf32>
    %select_n3A_157 = arith.select %eq3A_154, %broadcast_in_dim3A_156, %select_n3A_138 : vector<24x256xi1>, vector<24x256xf32>
    %reduce_min3A_158 = arith.constant dense<0x7F800000> : vector<256xf32>
    %reduce_min3A_159 = vector.multi_reduction <minimumf>, %select_n3A_157, %reduce_min3A_158 [0] : vector<24x256xf32> to vector<256xf32>
    %broadcast_in_dim3A_160 = vector.shape_cast %reduce_min3A_159 : vector<256xf32> to vector<1x256xf32>
    %eq3A_161 = vector.broadcast %broadcast_in_dim3A_160 : vector<1x256xf32> to vector<24x256xf32>
    %eq3A_162 = arith.cmpf oeq, %select_n3A_157, %eq3A_161 : vector<24x256xf32>
    %jit3A_163 = arith.constant 1073741824 : i32
    %broadcast_in_dim3A_164 = vector.broadcast %jit3A_163 : i32 to vector<24x256xi32>
    %select_n3A_165 = arith.select %eq3A_162, %concatenate3A_63, %broadcast_in_dim3A_164 : vector<24x256xi1>, vector<24x256xi32>
    %reduce_min3A_166 = arith.constant dense<2147483647> : vector<256xi32>
    %reduce_min3A_167 = vector.multi_reduction <minsi>, %select_n3A_165, %reduce_min3A_166 [0] : vector<24x256xi32> to vector<256xi32>
    %broadcast_in_dim3A_168 = vector.shape_cast %reduce_min3A_167 : vector<256xi32> to vector<1x256xi32>
    %swap3A_169 = arith.constant 5 : index
    %swap3A_170 = arith.constant 0 : index
    %swap3A_171 = vector.load %arg4[%swap3A_169, %swap3A_170] : memref<7x256xi32, #tpu.memory_space<vmem>>, vector<1x256xi32>
    tpu.vector_store %arg4[%swap3A_169, %swap3A_170], %broadcast_in_dim3A_168 {strides = array<i32>} : memref<7x256xi32, #tpu.memory_space<vmem>>, vector<1x256xi32>,
    %get3A_172 = arith.constant 0 : index
    %get3A_173 = arith.constant 0 : index
    %get3A_174 = arith.constant 0 : index
    %get3A_175 = vector.load %arg1[%get3A_172, %get3A_173, %get3A_174] : memref<1x1x256xi32, #tpu.memory_space<vmem>>, vector<1x1x256xi32>
    %get3A_176 = vector.shape_cast %get3A_175 : vector<1x1x256xi32> to vector<1x256xi32>
    %swap3A_177 = arith.constant 6 : index
    %swap3A_178 = arith.constant 0 : index
    %swap3A_179 = vector.load %arg4[%swap3A_177, %swap3A_178] : memref<7x256xi32, #tpu.memory_space<vmem>>, vector<1x256xi32>
    tpu.vector_store %arg4[%swap3A_177, %swap3A_178], %get3A_176 {strides = array<i32>} : memref<7x256xi32, #tpu.memory_space<vmem>>, vector<1x256xi32>,
    return
  }
  func.func @transform_0(%arg0: i32) -> (i32, i32, i32) {
    %c0_i32 = arith.constant 0 : i32
    %c0_i32_0 = arith.constant 0 : i32
    %c0_i32_1 = arith.constant 0 : i32
    return %arg0, %c0_i32, %c0_i32_0 : i32, i32, i32
  }
  func.func @transform_1(%arg0: i32) -> (i32, i32) {
    %c0_i32 = arith.constant 0 : i32
    %c0_i32_0 = arith.constant 0 : i32
    return %arg0, %c0_i32 : i32, i32
  }
  func.func @transform_2(%arg0: i32) -> (i32, i32) {
    %c0_i32 = arith.constant 0 : i32
    %c0_i32_0 = arith.constant 0 : i32
    %c0_i32_1 = arith.constant 0 : i32
    return %c0_i32, %c0_i32_0 : i32, i32
  }
  func.func @transform_3(%arg0: i32) -> (i32, i32) {
    %c0_i32 = arith.constant 0 : i32
    %c0_i32_0 = arith.constant 0 : i32
    return %c0_i32, %arg0 : i32, i32
  }
}

</mosaic_0001>

<sc_bundles>
// kernel: kernel.5.cloned.1.call-start
scs
__scs_entry_jumppad:
0x0: {  	(pc) =	sbr.rel $0x88, $3  }
0x1: {  	(tag) =	ssettag $0x0;
	lr =	simm.s32 $0x1  }
0x2: {  	[smem:$0x3F9E] =	sst lr;
	_ =	strace $0xD0000000  }
0x3: {  	_ = 	snop  }
0x4: {  	_ = 	snop  }
0x5: {  	_ = 	snop  }
0x6: {  	_ = 	snop  }
0x7: {  	_ = 	snop  }
__scs_overlays_trampoline_lowered:
0x8: {  	[smem:$0x3FAD] =	sst s0  }
0x9: {  	[smem:$0x3FAE] =	sst s1  }
0xa: {  	[smem:$0x3FAF] =	sst s2  }
0xb: {  	[smem:$0x3FB0] =	sst s3  }
0xc: {  	[smem:$0x3FB1] =	sst s4  }
0xd: {  	[smem:$0x3FB2] =	sst s5  }
0xe: {  	[smem:$0x3FB3] =	sst s6  }
0xf: {  	[smem:$0x3FB4] =	sst s7  }
0x10: {  	[smem:$0x3FB5] =	sst s8  }
0x11: {  	[smem:$0x3FB6] =	sst s9;
	s0 =	simm.s32 @!p0 $0x0  }
0x12: {  	s1 =	sld [smem:$0x3F9C];
	s0 =	simm.s32 @p0 $0x1  }
0x13: {  	[smem:$0x3FB7] =	sst s0;
	s0 =	simm.s32 @!p1 $0x0  }
0x14: {  	s2 =	sld [smem:$0x3F9B];
	s0 =	simm.s32 @p1 $0x1  }
0x15: {  	[smem:$0x3FB8] =	sst s0;
	s0 =	simm.s32 @!p2 $0x0  }
0x16: {  	s3 =	sld [smem:$0x3FDB];
	s0 =	simm.s32 @p2 $0x1  }
0x17: {  	s4 =	simm.s32 $0x1BF5;
	[smem:$0x3FBA] =	sst s0  }
0x18: {  	s0 =	sld [smem:$0x3F9D];
	_ =	swait.ge [sflag:s4], $0x0  }
0x19: {  	s7 =	sld [smem:$0x3F9E]  }
0x1a: {  	s8 =	sadd.s32 $0xFFFFE003, lr  }
0x1b: {  	s9 =	sadd.s32 $0xFFFFFEF7, lr;
	s5 =	simm.s32 $0xFFFFFFFF;
	p2 =	slt.u32 s8, $0xFFFFF086  }
0x1c: {  	p1 =	slt.u32 s9, $0xF7A;
	s5 =	simm.s32 @!p2 $0x0  }
0x1d: {  	s5 =	simm.s32 @p1 $0x1;
	p0 =	seq.s32 s7, s2  }
0x1e: {  	s7 =	smul.u32 @!p0 $0xF7A, s2;
	p2 =	seq.s32 @!p0 s5, $0x0  }
0x1f: {  	s9 =	smul.u32 $0xF7A, s1;
	s8 =	simm.s32 @!p0 $0x1BF5;
	p2 =	por !p2, p0  }
0x20: {  	[sflag:s8] =	ssyncset.s32 @!p0 $0xFFFFF086;
	s6 =	sadd.s32 @!p0 s3, s7;
	s7 =	simm.s32 @!p0 $0x108  }
0x21: {  	s3 =	sadd.s32 s3, s9;
	s6 =	sadd.s32 @!p0 $0x88, s6;
	s7 =	simm.s32 @p2 $0x1082  }
0x22: {  	[simem:s7], [sflag:s8] =	dma.local @!p0 [hbm:s6], $0xF7A  }
0x23: {  	s9 =	sor.u32 $0xD0000000, s2;
	s6 =	simm.s32 $0x108;
	_ =	swait.ge @!p0 [sflag:s8], $0x0  }
0x24: {  	s3 =	sadd.s32 $0x88, s3;
	s6 =	simm.s32 @!p1 $0x1082;
	[sflag:s4] =	ssyncset.s32 $0xFFFFF086  }
0x25: {  	[simem:s6], [sflag:s4] =	dma.local [hbm:s3], $0xF7A  }
0x26: {  	[smem:$0x3F9E] =	sst s1;
	(tag) =	ssettag s2;
	_ =	strace s9  }
0x27: {  	s1 =	sld [smem:$0x3FAE]  }
0x28: {  	s2 =	sld [smem:$0x3FAF]  }
0x29: {  	s4 =	sld [smem:$0x3FB1]  }
0x2a: {  	p0 =	seq.s32 s5, $0x0;
	s5 =	sld [smem:$0x3FB2]  }
0x2b: {  	s6 =	sld [smem:$0x3FB3]  }
0x2c: {  	s7 =	sld [smem:$0x3FB4]  }
0x2d: {  	s3 =	simm.s32 $0x108;
	s8 =	sld [smem:$0x3FB5]  }
0x2e: {  	s3 =	simm.s32 @!p0 $0x1082;
	s9 =	sld [smem:$0x3FB6]  }
0x2f: {  	lr =	sadd.s32 s0, s3;
	s0 =	sld [smem:$0x3FAD]  }
0x30: {  	s3 =	sld [smem:$0x3FB0]  }
0x31: {  	[smem:$0x3FB9] =	sst s10  }
0x32: {  	s10 =	sld [smem:$0x3FB7];
	_ =	sdelay $0x3  }
0x33: {  	p0 =	seq.s32 s10, $0x1;
	s10 =	sld [smem:$0x3FB9];
	_ =	sdelay $0x3  }
0x34: {  	[smem:$0x3FB9] =	sst s10  }
0x35: {  	s10 =	sld [smem:$0x3FB8];
	_ =	sdelay $0x3  }
0x36: {  	p1 =	seq.s32 s10, $0x1;
	s10 =	sld [smem:$0x3FB9];
	_ =	sdelay $0x3  }
0x37: {  	[smem:$0x3FB9] =	sst s10  }
0x38: {  	s10 =	sld [smem:$0x3FBA]  }
0x39: {  	_ = 	snop;
	(pc) =	sbr.ind lr, $3  }
0x3a: {  	_ = 	snop  }
0x3b: {  	_ = 	snop  }
0x3c: {  	p2 =	seq.s32 s10, $0x1;
	s10 =	sld [smem:$0x3FB9]  }
0x3d: {  	_ =	shalt  }
0x3e: {  	_ =	shalt  }
0x3f: {  	_ =	shalt  }
0x40: {  	_ =	shalt  }
0x41: {  	_ =	shalt  }
0x42: {  	_ =	shalt  }
0x43: {  	_ =	shalt  }
0x44: {  	_ =	shalt  }
0x45: {  	_ =	shalt  }
0x46: {  	_ =	shalt  }
0x47: {  	_ =	shalt  }
0x48: {  	_ =	shalt  }
0x49: {  	_ =	shalt  }
0x4a: {  	_ =	shalt  }
0x4b: {  	_ =	shalt  }
0x4c: {  	_ =	shalt  }
0x4d: {  	_ =	shalt  }
0x4e: {  	_ =	shalt  }
0x4f: {  	_ =	shalt  }
0x50: {  	_ =	shalt  }
0x51: {  	_ =	shalt  }
0x52: {  	_ =	shalt  }
0x53: {  	_ =	shalt  }
0x54: {  	_ =	shalt  }
0x55: {  	_ =	shalt  }
0x56: {  	_ =	shalt  }
0x57: {  	_ =	shalt  }
0x58: {  	_ =	shalt  }
0x59: {  	_ =	shalt  }
0x5a: {  	_ =	shalt  }
0x5b: {  	_ =	shalt  }
0x5c: {  	_ =	shalt  }
0x5d: {  	_ =	shalt  }
0x5e: {  	_ =	shalt  }
0x5f: {  	_ =	shalt  }
0x60: {  	_ =	shalt  }
0x61: {  	_ =	shalt  }
0x62: {  	_ =	shalt  }
0x63: {  	_ =	shalt  }
0x64: {  	_ =	shalt  }
0x65: {  	_ =	shalt  }
0x66: {  	_ =	shalt  }
0x67: {  	_ =	shalt  }
0x68: {  	_ =	shalt  }
0x69: {  	_ =	shalt  }
0x6a: {  	_ =	shalt  }
0x6b: {  	_ =	shalt  }
0x6c: {  	_ =	shalt  }
0x6d: {  	_ =	shalt  }
0x6e: {  	_ =	shalt  }
0x6f: {  	_ =	shalt  }
0x70: {  	_ =	shalt  }
0x71: {  	_ =	shalt  }
0x72: {  	_ =	shalt  }
0x73: {  	_ =	shalt  }
0x74: {  	_ =	shalt  }
0x75: {  	_ =	shalt  }
0x76: {  	_ =	shalt  }
0x77: {  	_ =	shalt  }
0x78: {  	_ =	shalt  }
0x79: {  	_ =	shalt  }
0x7a: {  	_ =	shalt  }
0x7b: {  	_ =	shalt  }
0x7c: {  	_ =	shalt  }
0x7d: {  	_ =	shalt  }
0x7e: {  	_ =	shalt  }
0x7f: {  	_ =	shalt  }
0x80: {  	_ =	shalt  }
0x81: {  	_ =	shalt  }
0x82: {  	_ =	shalt  }
0x83: {  	_ =	shalt  }
0x84: {  	_ =	shalt  }
0x85: {  	_ =	shalt  }
0x86: {  	_ =	shalt  }
0x87: {  	_ =	shalt  }
.Lfunc_end0:
.L_simem_size_0:
called_computation_lowered:
.L_overlay_start_0:
0x88: {  	s2 =	sld [smem:$0x3FD9]  }
0x89: {  	s3 =	sld [smem:$0x3FFE];
	_ =	sdelay $0x1  }
0x8a: {  	s1 =	srdreg.scid  }
0x8b: {  	s0 =	sand.u32 $0x1, s1  }
0x8c: {  	s14 =	sshll.u32 s0, $0xA;
	s2 =	sadd.s32 s3, s2  }
0x8d: {  	s2 =	sadd.s32 s2, s14  }
0x8e: {  	[smem:$0x3FC5] =	sst s2  }
0x8f: {  	_ = 	snop  }
0x90: {  	s2 =	sld [smem:$0x3FD0];
	_ =	sdelay $0x2  }
0x91: {  	s4 =	simm.s32 $0xA;
	s5 =	simm.s32 $0x10;
	s15 =	sld [smem:$0x3FC7]  }
0x92: {  	[smem:s5], [sflag:s4] =	dma.local [hbm:s2], $0x1  }
0x93: {  	_ =	swait.eq [sflag:s4], $0x1  }
0x94: {  	[sflag:s4] =	ssyncset.done $0x0  }
0x95: {  	[sflag:s4] =	ssyncadd.s32 $0xFFFFFFFF  }
0x96: {  	s16 =	sld [smem:$0x11];
	(tm) =	ssettm $0x1  }
0x97: {  	s17 =	sld [smem:$0x3FFB];
	_ =	sdelay $0x3  }
0x98: {  	_ =	strace s17  }
0x99: {  	s4 =	sld [smem:$0x3FFC];
	_ =	sdelay $0x3  }
0x9a: {  	_ =	strace s4  }
0x9b: {  	s4 =	sld [smem:$0x3FFD];
	_ =	sdelay $0x3  }
0x9c: {  	_ =	strace s4  }
0x9d: {  	_ =	strace $0x8FFFFFFF  }
0x9e: {  	s18 =	sld [smem:$0x3FDB];
	_ =	sdelay $0x1  }
0x9f: {  	s19 =	simm.s32 $_scs_section_size  }
0xa0: {  	s6 =	simm.s32 $_size__tile_overlayer_lowered;
	s7 =	simm.s32 $_tile_overlayer_lowered  }
0xa1: {  	s22 =	simm.s32 $0x1BFF;
	s21 =	sshll.u32 s7, $0x1;
	s4 =	sadd.s32 s19, s18  }
0xa2: {  	s8 =	simm.s32 $0x0;
	s20 =	sshll.u32 s6, $0x1;
	s6 =	sadd.s32 s21, s4  }
0xa3: {  	[timem:s8], [sflag:s22] =	dma.local [hbm:s6], s20  }
0xa4: {  	_ =	swait.ge [sflag:s22], s20  }
0xa5: {  	s5 =	ssub.s32 $0x0, s20;
	[sflag:s22] =	ssyncset.done $0x0  }
0xa6: {  	[sflag:s22] =	ssyncadd.s32 s5;
	_ =	sdelay $0x1  }
0xa7: {  	s23 =	simm.s32 $0x1B8B  }
0xa8: {  	_ =	swait.ge [sflag:s23], $0x1  }
0xa9: {  	[sflag:s23] =	ssyncset.done $0x0  }
0xaa: {  	s25 =	simm.s32 $0x1B8E;
	s24 =	sld [smem:$0x3FFE];
	[sflag:s23] =	ssyncadd.s32 $0xFFFFFFFF  }
0xab: {  	s26 =	simm.s32 $execute0_lowered;
	[smem:$0x3FD2] =	sst s25  }
0xac: {  	s6 =	sshll.u32 s26, $0x1;
	_ =	strace $0x80000046;
	[dreg:$0x1] =	wrdreg $0xFFFFFFFF  }
0xad: {  	s28 =	simm.s32 $_size_execute0_lowered;
	s4 =	sadd.s32 s4, s6;
	[dreg:$0x0] =	wrdreg $0x0  }
0xae: {  	s6 =	sshll.u32 s28, $0x1;
	[dreg:$0x2] =	wrdreg s4  }
0xaf: {  	[dreg:$0x3] =	wrdreg s6  }
0xb0: {  	[dreg:$0x4] =	wrdreg $0xC0  }
0xb1: {  	_ =	task [dreg:s8], $0x5FFFF  }
0xb2: {  	[dreg:$0x1] =	wrdreg $0xFFFFFFFF  }
0xb3: {  	[dreg:$0x0] =	wrdreg $0x60  }
0xb4: {  	[dreg:$0x2] =	wrdreg s15  }
0xb5: {  	[dreg:$0x3] =	wrdreg s16  }
0xb6: {  	[dreg:$0x4] =	wrdreg s24  }
0xb7: {  	[dreg:$0x5] =	wrdreg $0x9  }
0xb8: {  	_ =	task.clear_ibuf [dreg:s8], $0x6FFFF;
	_ =	strace $0x90000046  }
0xb9: {  	s29 =	simm.s32 $0x9;
	_ =	strace $0x80000048  }
0xba: {  	_ =	swait.ge [sflag:s29], $0x1  }
0xbb: {  	[sflag:s29] =	ssyncadd.s32 $0xFFFFFFFF  }
0xbc: {  	_ =	strace $0x90000048  }
0xbd: {  	_ =	sfence  }
0xbe: {  	s30 =	sld [smem:$0x0];
	_ =	sdelay $0x2  }
0xbf: {  	s31 =	sshll.u32 s1, $0xD;
	s1 =	sshrl.u32 s1, $0x2  }
0xc0: {  	s3 =	sand.u32 $0x4000, s31;
	s1 =	sadd.s32 s1, s30  }
0xc1: {  	s0 =	sor.u32 s3, s0;
	s1 =	sshll.u32 s1, $0x11  }
0xc2: {  	s0 =	sor.u32 s1, s0  }
0xc3: {  	s0 =	sadd.s32 $0x8F2B, s0  }
0xc4: {  	[sflag:s0] =	ssyncadd.remote.s32 $0x1  }
0xc5: {  	_ =	sfence.sel $0xFFFF  }
0xc6: {  	[dreg:$0x0] =	wrdreg $0xFFFFFFFF;
	(pc) =	sbr.abs _section_cstart, $3  }
0xc7: {  	[dreg:$0x1] =	wrdreg $0xFFFFFFFF  }
0xc8: {  	_ =	task.clear_ibuf [dreg:s8], $0x2FFFF;
	_ =	strace $0x9FFFFFFF  }
0xc9: {  	(tm) =	ssettm $0x7FFFFFFF  }
tec
execute0_lowered:
.L_overlay_start_1:
0x0: {  	(tag) =	ssettag $0x1  }
0x1: {  	s1 =	rddreg [dreg:$0x0]  }
0x2: {  	s2 =	srdreg.scid;
	s4 =	rddreg [dreg:$0x1]  }
0x3: {  	s0 =	stileid.u32;
	s5 =	rddreg [dreg:$0x2];
	s20 =	simm.s32 $0x900  }
0x4: {  	s21 =	simm.s32 $0x1100;
	s23 =	simm.s32 $0x1900;
	s24 =	simm.s32 $0x2100  }
0x5: {  	s25 =	simm.s32 $0x2900;
	s26 =	simm.s32 $0x3100;
	s9 =	simm.s32 $0x4900  }
0x6: {  	s10 =	simm.s32 $0x5100;
	s11 =	simm.s32 $0x5900;
	s12 =	simm.s32 $0x6100  }
0x7: {  	s13 =	simm.s32 $0x6900;
	s2 =	sand.u32 $0x1, s2;
	s3 =	sshll.u32 s0, $0x1  }
0x8: {  	s14 =	simm.s32 $0x7100;
	s6 =	sor.u32 s2, s3;
	s3 =	simm.s32 $0x0  }
0x9: {  	s28 =	simm.s32 $0xD900;
	s29 =	simm.s32 $0x1;
	[smem:$0x7FF] =	sst s3  }
0xa: {  	s30 =	simm.s32 $0x2;
	_ =	strace $0x80000047;
	[dreg:$0x9] =	wrdreg s20  }
0xb: {  	s31 =	simm.s32 $0x3;
	s5 =	sadd.s32 $0x1200, s5;
	[dreg:$0xa] =	wrdreg s21  }
0xc: {  	s2 =	ssub.s32 $0x2, s2;
	s7 =	smul.u32 $0x1C, s6;
	[dreg:$0xb] =	wrdreg s23  }
0xd: {  	s8 =	smul.u32 $0xE000, s6;
	s22 =	sshrl.u32 s2, $0x1;
	[dreg:$0xc] =	wrdreg s24  }
0xe: {  	s6 =	smul.u32 $0x1C00, s6;
	s2 =	ssub.s32 s2, s22;
	[dreg:$0xd] =	wrdreg s25  }
0xf: {  	[dreg:$0xe] =	wrdreg s26;
	s20 =	simm.s32 $0xA100;
	s21 =	simm.s32 $0xA900  }
0x10: {  	s22 =	simm.s32 $0xB100;
	s23 =	simm.s32 $0xB900;
	s24 =	simm.s32 $0xC100  }
0x11: {  	s25 =	simm.s32 $0xC900;
	s26 =	simm.s32 $0xD100;
	s4 =	sadd.s32 s4, s7  }
0x12: {  	s15 =	sshrl.u32 s8, $0x3;
	s16 =	sadd.s32 s5, s6;
	s6 =	simm.s32 $0x100  }
0x13: {  	s7 =	simm.s32 $0x3900;
	[dreg:$0x4] =	wrdreg s4;
	s5 =	sadd.s32 s5, s15  }
0x14: {  	[dreg:$0x5] =	wrdreg s16;
	s4 =	smax.u32 s2, $0x1;
	s17 =	sadd.s32 $0x700, s5  }
0x15: {  	s15 =	simm.s32 $0x7900;
	s18 =	sadd.s32 $0xE00, s5;
	[dreg:$0x6] =	wrdreg s17  }
0x16: {  	v2 =	vlaneseq.u32;
	s16 =	simm.s32 $0x8100;
	s19 =	sadd.s32 $0x1500, s5;
	[dreg:$0x7] =	wrdreg s18  }
0x17: {  	vm0 =	vmmov $0xffff;
	v1 =	vshrl.u32 v2, $0x3;
	s2 =	simm.s32 $0x4;
	s5 =	simm.s32 $0x5;
	[dreg:$0x8] =	wrdreg s19  }
0x18: {  	v0 =	vand.u32 $0x7, v2;
	v2 =	vor.u32 $0x8, v2;
	v1 =	vmul.u32 $0x8, v1;
	s17 =	simm.s32 $0x8900;
	s18 =	simm.s32 $0x9100;
	s19 =	simm.s32 $0x9900  }
.LBB2_1:
0x19: {  	s0 =	rddreg [dreg:$0x4]  }
0x1a: {  	[tilespmem:s3], [sflag:$0x5] =	stream.linear.gather [hbm4b:s0+s3], $0xE0, $0x38;
	[tilespmem:$0xE100] =	vst v63  }
0x1b: {  	_ =	swait.ge [sflag:s5], $0xE0  }
0x1c: {  	[sflag:s5] =	ssyncset.done $0x0  }
0x1d: {  	[sflag:s5] =	ssyncadd.s32 $0xFFFFFF20  }
0x1e: {  	v3 =	vld [tilespmem:$0x0];
	_ =	sdelay $0x4  }
0x1f: {  	v4 =	vshll.u32 v3, $0x1  }
0x20: {  	v3 =	vand.u32 $0x7, v3;
	v4 =	vand.u32 $0xFFFFFFF0, v4  }
0x21: {  	v3 =	vor.u32 v3, v4  }
0x22: {  	v4 =	vperm.xlane v3, v0;
	_ =	sdelay $0x1  }
0x23: {  	v3 =	vperm.xlane v3, v2;
	v4 =	vadd.s32 v1, v4;
	_ =	sdelay $0x1  }
0x24: {  	v3 =	vadd.s32 v1, v3;
	_ =	sdelay $0x2  }
0x25: {  	[tilespmem:s6], [sflag:$0x1] =	stream.indirect_vreg.gather [hbm4b:s1+s3], $0x80, v4, vm0, $0xb8;
	[tilespmem:$0xE100] =	vst v63  }
0x26: {  	s8 =	rddreg [dreg:$0x9]  }
0x27: {  	[tilespmem:s8], [sflag:$0x1] =	stream.indirect_vreg.gather [hbm4b:s1+s3], $0x80, v3, vm0, $0xb8;
	[tilespmem:$0xE100] =	vst v63  }
0x28: {  	v3 =	vld [tilespmem:$0x10];
	_ =	sdelay $0x4  }
0x29: {  	v49 =	vshll.u32 v3, $0x1  }
0x2a: {  	v3 =	vand.u32 $0x7, v3;
	v4 =	vand.u32 $0xFFFFFFF0, v49  }
0x2b: {  	v3 =	vor.u32 v3, v4  }
0x2c: {  	v4 =	vperm.xlane v3, v0;
	_ =	sdelay $0x1  }
0x2d: {  	v3 =	vperm.xlane v3, v2;
	v4 =	vadd.s32 v1, v4;
	_ =	sdelay $0x1  }
0x2e: {  	v3 =	vadd.s32 v1, v3;
	_ =	sdelay $0x1  }
0x2f: {  	s0 =	rddreg [dreg:$0xa]  }
0x30: {  	[tilespmem:s0], [sflag:$0x1] =	stream.indirect_vreg.gather [hbm4b:s1+s3], $0x80, v4, vm0, $0xb8;
	[tilespmem:$0xE100] =	vst v63  }
0x31: {  	s8 =	rddreg [dreg:$0xb]  }
0x32: {  	[tilespmem:s8], [sflag:$0x1] =	stream.indirect_vreg.gather [hbm4b:s1+s3], $0x80, v3, vm0, $0xb8;
	[tilespmem:$0xE100] =	vst v63  }
0x33: {  	v3 =	vld [tilespmem:$0x20];
	_ =	sdelay $0x4  }
0x34: {  	v50 =	vshll.u32 v3, $0x1  }
0x35: {  	v3 =	vand.u32 $0x7, v3;
	v4 =	vand.u32 $0xFFFFFFF0, v50  }
0x36: {  	v3 =	vor.u32 v3, v4  }
0x37: {  	v4 =	vperm.xlane v3, v0;
	_ =	sdelay $0x1  }
0x38: {  	v3 =	vperm.xlane v3, v2;
	v4 =	vadd.s32 v1, v4;
	_ =	sdelay $0x1  }
0x39: {  	v3 =	vadd.s32 v1, v3;
	_ =	sdelay $0x1  }
0x3a: {  	s0 =	rddreg [dreg:$0xc]  }
0x3b: {  	[tilespmem:s0], [sflag:$0x1] =	stream.indirect_vreg.gather [hbm4b:s1+s3], $0x80, v4, vm0, $0xb8;
	[tilespmem:$0xE100] =	vst v63  }
0x3c: {  	s8 =	rddreg [dreg:$0xd]  }
0x3d: {  	[tilespmem:s8], [sflag:$0x1] =	stream.indirect_vreg.gather [hbm4b:s1+s3], $0x80, v3, vm0, $0xb8;
	[tilespmem:$0xE100] =	vst v63  }
0x3e: {  	v3 =	vld.msk [tilespmem:$0x30], $0xff;
	_ =	sdelay $0x4  }
0x3f: {  	v51 =	vshll.u32 v3, $0x1  }
0x40: {  	v3 =	vand.u32 $0x7, v3;
	v4 =	vand.u32 $0xFFFFFFF0, v51  }
0x41: {  	v3 =	vor.u32 v3, v4  }
0x42: {  	v3 =	vperm.xlane v3, v0;
	_ =	sdelay $0x1  }
0x43: {  	v3 =	vadd.s32 v1, v3;
	_ =	sdelay $0x3  }
0x44: {  	s8 =	rddreg [dreg:$0xe]  }
0x45: {  	[tilespmem:s8], [sflag:$0x1] =	stream.indirect_vreg.gather [hbm4b:s1+s3], $0x80, v3, vm0, $0xb8;
	[tilespmem:$0xE100] =	vst v63  }
0x46: {  	v3 =	vld [tilespmem:$0x38];
	_ =	sdelay $0x4  }
0x47: {  	v52 =	vshll.u32 v3, $0x1  }
0x48: {  	v3 =	vand.u32 $0x7, v3;
	v4 =	vand.u32 $0xFFFFFFF0, v52  }
0x49: {  	v3 =	vor.u32 v3, v4  }
0x4a: {  	v4 =	vperm.xlane v3, v0;
	_ =	sdelay $0x1  }
0x4b: {  	v3 =	vperm.xlane v3, v2;
	v4 =	vadd.s32 v1, v4;
	_ =	sdelay $0x1  }
0x4c: {  	v3 =	vadd.s32 v1, v3;
	_ =	sdelay $0x2  }
0x4d: {  	[tilespmem:s7], [sflag:$0x2] =	stream.indirect_vreg.gather [hbm4b:s1+s3], $0x80, v4, vm0, $0xb8;
	[tilespmem:$0xE100] =	vst v63  }
0x4e: {  	s8 =	simm.s32 $0x4100  }
0x4f: {  	[tilespmem:s8], [sflag:$0x2] =	stream.indirect_vreg.gather [hbm4b:s1+s3], $0x80, v3, vm0, $0xb8;
	[tilespmem:$0xE100] =	vst v63  }
0x50: {  	v3 =	vld [tilespmem:$0x48];
	_ =	sdelay $0x4  }
0x51: {  	v53 =	vshll.u32 v3, $0x1  }
0x52: {  	v3 =	vand.u32 $0x7, v3;
	v4 =	vand.u32 $0xFFFFFFF0, v53  }
0x53: {  	v3 =	vor.u32 v3, v4  }
0x54: {  	v4 =	vperm.xlane v3, v0;
	_ =	sdelay $0x1  }
0x55: {  	v3 =	vperm.xlane v3, v2;
	v4 =	vadd.s32 v1, v4;
	_ =	sdelay $0x1  }
0x56: {  	v3 =	vadd.s32 v1, v3;
	_ =	sdelay $0x2  }
0x57: {  	[tilespmem:s9], [sflag:$0x2] =	stream.indirect_vreg.gather [hbm4b:s1+s3], $0x80, v4, vm0, $0xb8;
	[tilespmem:$0xE100] =	vst v63  }
0x58: {  	_ = 	snop  }
0x59: {  	[tilespmem:s10], [sflag:$0x2] =	stream.indirect_vreg.gather [hbm4b:s1+s3], $0x80, v3, vm0, $0xb8;
	[tilespmem:$0xE100] =	vst v63  }
0x5a: {  	v3 =	vld [tilespmem:$0x58];
	_ =	sdelay $0x4  }
0x5b: {  	v54 =	vshll.u32 v3, $0x1  }
0x5c: {  	v3 =	vand.u32 $0x7, v3;
	v4 =	vand.u32 $0xFFFFFFF0, v54  }
0x5d: {  	v3 =	vor.u32 v3, v4  }
0x5e: {  	v4 =	vperm.xlane v3, v0;
	_ =	sdelay $0x1  }
0x5f: {  	v3 =	vperm.xlane v3, v2;
	v4 =	vadd.s32 v1, v4;
	_ =	sdelay $0x1  }
0x60: {  	v3 =	vadd.s32 v1, v3;
	_ =	sdelay $0x2  }
0x61: {  	[tilespmem:s11], [sflag:$0x2] =	stream.indirect_vreg.gather [hbm4b:s1+s3], $0x80, v4, vm0, $0xb8;
	[tilespmem:$0xE100] =	vst v63  }
0x62: {  	_ = 	snop  }
0x63: {  	[tilespmem:s12], [sflag:$0x2] =	stream.indirect_vreg.gather [hbm4b:s1+s3], $0x80, v3, vm0, $0xb8;
	[tilespmem:$0xE100] =	vst v63  }
0x64: {  	v3 =	vld.msk [tilespmem:$0x68], $0xff;
	_ =	sdelay $0x4  }
0x65: {  	v55 =	vshll.u32 v3, $0x1  }
0x66: {  	v3 =	vand.u32 $0x7, v3;
	v4 =	vand.u32 $0xFFFFFFF0, v55  }
0x67: {  	v3 =	vor.u32 v3, v4  }
0x68: {  	v3 =	vperm.xlane v3, v0;
	_ =	sdelay $0x1  }
0x69: {  	v3 =	vadd.s32 v1, v3;
	_ =	sdelay $0x4  }
0x6a: {  	[tilespmem:s13], [sflag:$0x2] =	stream.indirect_vreg.gather [hbm4b:s1+s3], $0x80, v3, vm0, $0xb8;
	[tilespmem:$0xE100] =	vst v63  }
0x6b: {  	v3 =	vld [tilespmem:$0x70];
	_ =	sdelay $0x4  }
0x6c: {  	v56 =	vshll.u32 v3, $0x1  }
0x6d: {  	v3 =	vand.u32 $0x7, v3;
	v4 =	vand.u32 $0xFFFFFFF0, v56  }
0x6e: {  	v3 =	vor.u32 v3, v4  }
0x6f: {  	v4 =	vperm.xlane v3, v0;
	_ =	sdelay $0x1  }
0x70: {  	v3 =	vperm.xlane v3, v2;
	v4 =	vadd.s32 v1, v4;
	_ =	sdelay $0x1  }
0x71: {  	v3 =	vadd.s32 v1, v3;
	_ =	sdelay $0x2  }
0x72: {  	[tilespmem:s14], [sflag:$0x3] =	stream.indirect_vreg.gather [hbm4b:s1+s3], $0x80, v4, vm0, $0xb8;
	[tilespmem:$0xE100] =	vst v63  }
0x73: {  	_ = 	snop  }
0x74: {  	[tilespmem:s15], [sflag:$0x3] =	stream.indirect_vreg.gather [hbm4b:s1+s3], $0x80, v3, vm0, $0xb8;
	[tilespmem:$0xE100] =	vst v63  }
0x75: {  	v3 =	vld [tilespmem:$0x80];
	_ =	sdelay $0x4  }
0x76: {  	v57 =	vshll.u32 v3, $0x1  }
0x77: {  	v3 =	vand.u32 $0x7, v3;
	v4 =	vand.u32 $0xFFFFFFF0, v57  }
0x78: {  	v3 =	vor.u32 v3, v4  }
0x79: {  	v4 =	vperm.xlane v3, v0;
	_ =	sdelay $0x1  }
0x7a: {  	v3 =	vperm.xlane v3, v2;
	v4 =	vadd.s32 v1, v4;
	_ =	sdelay $0x1  }
0x7b: {  	v3 =	vadd.s32 v1, v3;
	_ =	sdelay $0x2  }
0x7c: {  	[tilespmem:s16], [sflag:$0x3] =	stream.indirect_vreg.gather [hbm4b:s1+s3], $0x80, v4, vm0, $0xb8;
	[tilespmem:$0xE100] =	vst v63  }
0x7d: {  	_ = 	snop  }
0x7e: {  	[tilespmem:s17], [sflag:$0x3] =	stream.indirect_vreg.gather [hbm4b:s1+s3], $0x80, v3, vm0, $0xb8;
	[tilespmem:$0xE100] =	vst v63  }
0x7f: {  	v3 =	vld [tilespmem:$0x90];
	_ =	sdelay $0x4  }
0x80: {  	v58 =	vshll.u32 v3, $0x1  }
0x81: {  	v3 =	vand.u32 $0x7, v3;
	v4 =	vand.u32 $0xFFFFFFF0, v58  }
0x82: {  	v3 =	vor.u32 v3, v4  }
0x83: {  	v4 =	vperm.xlane v3, v0;
	_ =	sdelay $0x1  }
0x84: {  	v3 =	vperm.xlane v3, v2;
	v4 =	vadd.s32 v1, v4;
	_ =	sdelay $0x1  }
0x85: {  	v3 =	vadd.s32 v1, v3;
	_ =	sdelay $0x2  }
0x86: {  	[tilespmem:s18], [sflag:$0x3] =	stream.indirect_vreg.gather [hbm4b:s1+s3], $0x80, v4, vm0, $0xb8;
	[tilespmem:$0xE100] =	vst v63  }
0x87: {  	_ = 	snop  }
0x88: {  	[tilespmem:s19], [sflag:$0x3] =	stream.indirect_vreg.gather [hbm4b:s1+s3], $0x80, v3, vm0, $0xb8;
	[tilespmem:$0xE100] =	vst v63  }
0x89: {  	v3 =	vld.msk [tilespmem:$0xA0], $0xff;
	_ =	sdelay $0x4  }
0x8a: {  	v59 =	vshll.u32 v3, $0x1  }
0x8b: {  	v3 =	vand.u32 $0x7, v3;
	v4 =	vand.u32 $0xFFFFFFF0, v59  }
0x8c: {  	v3 =	vor.u32 v3, v4  }
0x8d: {  	v3 =	vperm.xlane v3, v0;
	_ =	sdelay $0x1  }
0x8e: {  	v3 =	vadd.s32 v1, v3;
	_ =	sdelay $0x4  }
0x8f: {  	[tilespmem:s20], [sflag:$0x3] =	stream.indirect_vreg.gather [hbm4b:s1+s3], $0x80, v3, vm0, $0xb8;
	[tilespmem:$0xE100] =	vst v63  }
0x90: {  	v3 =	vld [tilespmem:$0xA8];
	_ =	sdelay $0x4  }
0x91: {  	v60 =	vshll.u32 v3, $0x1  }
0x92: {  	v3 =	vand.u32 $0x7, v3;
	v4 =	vand.u32 $0xFFFFFFF0, v60  }
0x93: {  	v3 =	vor.u32 v3, v4  }
0x94: {  	v4 =	vperm.xlane v3, v0;
	_ =	sdelay $0x1  }
0x95: {  	v3 =	vperm.xlane v3, v2;
	v4 =	vadd.s32 v1, v4;
	_ =	sdelay $0x1  }
0x96: {  	v3 =	vadd.s32 v1, v3;
	_ =	sdelay $0x2  }
0x97: {  	[tilespmem:s21], [sflag:$0x4] =	stream.indirect_vreg.gather [hbm4b:s1+s3], $0x80, v4, vm0, $0xb8;
	[tilespmem:$0xE100] =	vst v63  }
0x98: {  	_ = 	snop  }
0x99: {  	[tilespmem:s22], [sflag:$0x4] =	stream.indirect_vreg.gather [hbm4b:s1+s3], $0x80, v3, vm0, $0xb8;
	[tilespmem:$0xE100] =	vst v63  }
0x9a: {  	v3 =	vld [tilespmem:$0xB8];
	_ =	sdelay $0x4  }
0x9b: {  	v61 =	vshll.u32 v3, $0x1  }
0x9c: {  	v3 =	vand.u32 $0x7, v3;
	v4 =	vand.u32 $0xFFFFFFF0, v61  }
0x9d: {  	v3 =	vor.u32 v3, v4  }
0x9e: {  	v4 =	vperm.xlane v3, v0;
	_ =	sdelay $0x1  }
0x9f: {  	v3 =	vperm.xlane v3, v2;
	v4 =	vadd.s32 v1, v4;
	_ =	sdelay $0x1  }
0xa0: {  	v3 =	vadd.s32 v1, v3;
	_ =	sdelay $0x2  }
0xa1: {  	[tilespmem:s23], [sflag:$0x4] =	stream.indirect_vreg.gather [hbm4b:s1+s3], $0x80, v4, vm0, $0xb8;
	[tilespmem:$0xE100] =	vst v63  }
0xa2: {  	_ = 	snop  }
0xa3: {  	[tilespmem:s24], [sflag:$0x4] =	stream.indirect_vreg.gather [hbm4b:s1+s3], $0x80, v3, vm0, $0xb8;
	[tilespmem:$0xE100] =	vst v63  }
0xa4: {  	v3 =	vld [tilespmem:$0xC8];
	_ =	sdelay $0x4  }
0xa5: {  	v62 =	vshll.u32 v3, $0x1  }
0xa6: {  	v3 =	vand.u32 $0x7, v3;
	v4 =	vand.u32 $0xFFFFFFF0, v62  }
0xa7: {  	v3 =	vor.u32 v3, v4  }
0xa8: {  	v4 =	vperm.xlane v3, v0;
	_ =	sdelay $0x1  }
0xa9: {  	v3 =	vperm.xlane v3, v2;
	v4 =	vadd.s32 v1, v4;
	_ =	sdelay $0x1  }
0xaa: {  	v3 =	vadd.s32 v1, v3;
	_ =	sdelay $0x2  }
0xab: {  	[tilespmem:s25], [sflag:$0x4] =	stream.indirect_vreg.gather [hbm4b:s1+s3], $0x80, v4, vm0, $0xb8;
	[tilespmem:$0xE100] =	vst v63  }
0xac: {  	_ = 	snop  }
0xad: {  	[tilespmem:s26], [sflag:$0x4] =	stream.indirect_vreg.gather [hbm4b:s1+s3], $0x80, v3, vm0, $0xb8;
	[tilespmem:$0xE100] =	vst v63  }
0xae: {  	v3 =	vld.msk [tilespmem:$0xD8], $0xff;
	_ =	sdelay $0x4  }
0xaf: {  	v63 =	vshll.u32 v3, $0x1  }
0xb0: {  	v3 =	vand.u32 $0x7, v3;
	v4 =	vand.u32 $0xFFFFFFF0, v63  }
0xb1: {  	v3 =	vor.u32 v3, v4  }
0xb2: {  	v3 =	vperm.xlane v3, v0;
	_ =	sdelay $0x1  }
0xb3: {  	v3 =	vadd.s32 v1, v3;
	_ =	sdelay $0x4  }
0xb4: {  	[tilespmem:s28], [sflag:$0x4] =	stream.indirect_vreg.gather [hbm4b:s1+s3], $0x80, v3, vm0, $0xb8;
	[tilespmem:$0xE100] =	vst v63  }
0xb5: {  	_ =	swait.ge [sflag:s29], $0x3800  }
0xb6: {  	[sflag:s29] =	ssyncset.done $0x0  }
0xb7: {  	s8 =	rddreg [dreg:$0x5];
	[sflag:s29] =	ssyncadd.s32 $0xFFFFC800  }
0xb8: {  	[hbm4b:s8+s3] =	stream.linear.scatter [tilespmem:s6], [sflag:$0x5], $0x3800, $0x38;
	[tilespmem:$0xE100] =	vst v63  }
0xb9: {  	_ =	swait.ge [sflag:s5], $0x3800  }
0xba: {  	[sflag:s5] =	ssyncset.done $0x0  }
0xbb: {  	[sflag:s5] =	ssyncadd.s32 $0xFFFFC800  }
0xbc: {  	_ =	swait.ge [sflag:s30], $0x3800  }
0xbd: {  	[sflag:s30] =	ssyncset.done $0x0  }
0xbe: {  	s8 =	rddreg [dreg:$0x6];
	[sflag:s30] =	ssyncadd.s32 $0xFFFFC800  }
0xbf: {  	[hbm4b:s8+s3] =	stream.linear.scatter [tilespmem:s7], [sflag:$0x5], $0x3800, $0x38;
	[tilespmem:$0xE100] =	vst v63  }
0xc0: {  	_ =	swait.ge [sflag:s5], $0x3800  }
0xc1: {  	[sflag:s5] =	ssyncset.done $0x0  }
0xc2: {  	[sflag:s5] =	ssyncadd.s32 $0xFFFFC800  }
0xc3: {  	_ =	swait.ge [sflag:s31], $0x3800  }
0xc4: {  	[sflag:s31] =	ssyncset.done $0x0  }
0xc5: {  	s8 =	rddreg [dreg:$0x7];
	[sflag:s31] =	ssyncadd.s32 $0xFFFFC800  }
0xc6: {  	[hbm4b:s8+s3] =	stream.linear.scatter [tilespmem:s14], [sflag:$0x5], $0x3800, $0x38;
	[tilespmem:$0xE100] =	vst v63  }
0xc7: {  	_ =	swait.ge [sflag:s5], $0x3800  }
0xc8: {  	[sflag:s5] =	ssyncset.done $0x0  }
0xc9: {  	[sflag:s5] =	ssyncadd.s32 $0xFFFFC800  }
0xca: {  	_ =	swait.ge [sflag:s2], $0x3800  }
0xcb: {  	p0 =	sne.s32 s4, $0x1;
	[sflag:s2] =	ssyncset.done $0x0  }
.Ltmp0:
0xcc: {  	s8 =	rddreg [dreg:$0x8];
	[sflag:s2] =	ssyncadd.s32 $0xFFFFC800;
	(pc) =	sbr.rel @p0 .LBB2_1-.Ltmp0, $4  }
0xcd: {  	[hbm4b:s8+s3] =	stream.linear.scatter [tilespmem:s21], [sflag:$0x5], $0x3800, $0x38;
	[tilespmem:$0xE100] =	vst v63  }
0xce: {  	_ =	swait.ge [sflag:s5], $0x3800  }
0xcf: {  	[sflag:s5] =	ssyncset.done $0x0  }
0xd0: {  	s4 =	sadd.s32 $0xFFFFFFFF, s4;
	[sflag:s5] =	ssyncadd.s32 $0xFFFFC800  }
0xd1: {  	_ =	sfence.sel $0x180000  }
0xd2: {  	[bflag:$0x0] =	sbarrier.arrive $0xFFFF  }
0xd3: {  	_ =	strace $0x90000047  }
0xd4: {  	s0 =	stileid.u32;
	[bflag:$0x2] =	sbarrier.arrive $0xFFFF  }
0xd5: {  	p0 =	sne.s32 s0, $0x0;
	s0 =	rddreg [dreg:$0x3]  }
0xd6: {  	s0 =	sadd.s32 @!p0 $0x100000, s0  }
0xd7: {  	[sflag:s0] =	ssyncadd.tile.s32 @!p0 $0x1;
	_ =	shalt  }
.Lfunc_end2:
_tile_overlayer_lowered:
.L_overlay_start_2:
0xd8: {  	(tag) =	ssettag $0x2  }
0xd9: {  	s0 =	rddreg [dreg:$0x0];
	s2 =	stileid.u32  }
0xda: {  	s1 =	rddreg [dreg:$0x1];
	p0 =	sne.s32 s2, $0x0  }
0xdb: {  	s3 =	rddreg [dreg:$0x2];
	[bflag:$0x3] =	sbarrier.arrive $0xFFFF;
	s2 =	simm.s32 @!p0 $0x1C05  }
0xdc: {  	[timem:s3], [sflag:s2] =	dma.local @!p0 [hbm:s0], s1  }
0xdd: {  	s0 =	simm.s32 @!p0 $0x5  }
0xde: {  	_ =	swait.ge @!p0 [sflag:s0], s1  }
0xdf: {  	s1 =	ssub.s32 @!p0 $0x0, s1;
	[sflag:s0] =	ssyncset.done @!p0 $0x0  }
0xe0: {  	[sflag:s0] =	ssyncadd.s32 @!p0 s1  }
0xe1: {  	[bflag:$0x3] =	sbarrier.arrive $0xFFFF  }
0xe2: {  	_ =	shalt  }

</sc_bundles>
